<compile_context>
chip_gen: v7x
topology: tpu7x:2x2x1
jax: 0.10.2.dev20260603
libtpu: 0.0.44.dev20260713+nightly
codegen_flags: <defaults>
</compile_context>

<pallas_src>
import functools

import jax
import jax.numpy as jnp
from jax import lax
from jax.experimental import pallas as pl
from jax.experimental.pallas import tpu as pltpu
from jax.experimental.pallas import tpu_sc as plsc

N = 10000
F = 128
E = 320000

NC = 2
NS = 16
NW = NC * NS
EDGES_PER_W = E // NW
CHUNK = 64
PAIRS = 79
CP_PROC = 2 * PAIRS
CP_RGN = CP_PROC + 2
RGN = CP_RGN * CHUNK
E_PAD = NW * RGN
PAD_ROW = 10200
N_PAD = 10240
ROWS_PER_TILE = N_PAD // NS


def _softplus(x):
    return jnp.maximum(x, 0.0) + jnp.log1p(jnp.exp(-jnp.abs(x)))


def _node_pre_body(a_ref, wi_ref, bi_ref, wj_ref, bj_ref,
                   emb_ref, x0_ref, t_ref):
    e = _softplus(a_ref[...])
    emb_ref[...] = e
    x0_ref[...] = _softplus(
        jnp.dot(e, wi_ref[...], preferred_element_type=jnp.float32) + bi_ref[...])
    t_ref[...] = _softplus(
        jnp.dot(e, wj_ref[...], preferred_element_type=jnp.float32) + bj_ref[...])


def _node_pre(a, Wi, bi, Wj, bj):
    nb = 1000
    grid = N // nb
    blk = pl.BlockSpec((nb, F), lambda i: (i, 0))
    wblk = pl.BlockSpec((F, F), lambda i: (0, 0))
    bblk = pl.BlockSpec((1, F), lambda i: (0, 0))
    out = jax.ShapeDtypeStruct((N, F), jnp.float32)
    return pl.pallas_call(
        _node_pre_body,
        grid=(grid,),
        in_specs=[blk, wblk, bblk, wblk, bblk],
        out_specs=[blk, blk, blk],
        out_shape=[out, out, out],
    )(a, Wi, bi.reshape(1, F), Wj, bj.reshape(1, F))


def _edge_g_body(f_ref, wg_ref, g_ref):
    g_ref[pl.ds(0, EDGES_PER_W), :] = jnp.dot(
        f_ref[...], wg_ref[...], preferred_element_type=jnp.float32)
    g_ref[pl.ds(EDGES_PER_W, RGN - EDGES_PER_W), :] = jnp.zeros(
        (RGN - EDGES_PER_W, F), jnp.float32)


def _edge_g(f_ij, Wg):
    return pl.pallas_call(
        _edge_g_body,
        grid=(NW,),
        in_specs=[pl.BlockSpec((EDGES_PER_W, 16), lambda i: (i, 0)),
                  pl.BlockSpec((16, F), lambda i: (0, 0))],
        out_specs=pl.BlockSpec((RGN, F), lambda i: (i, 0)),
        out_shape=jax.ShapeDtypeStruct((E_PAD, F), jnp.float32),
    )(f_ij, Wg)


def _sc_edges_body(t_hbm, g_hbm, idxi_hbm, idxj_hbm, out_hbm,
                   idxj0, idxj1, idxi0, idxi1, g0, g1, rows0, rows1,
                   semA0, semA1, semB0, semB1, semS0, semS1, acc_sh):
    c = lax.axis_index("c")
    s = lax.axis_index("s")
    wid = c * NS + s
    slots = ((idxj0, idxi0, g0, rows0, semA0, semB0, semS0),
             (idxj1, idxi1, g1, rows1, semA1, semB1, semS1))

    @plsc.parallel_loop(0, CHUNK, 1, unroll=2)
    def _zrow(r):
        for cc in range(F // 16):
            rows0[r, pl.ds(cc * 16, 16)] = jnp.zeros((16,), jnp.float32)

    base_row = s * ROWS_PER_TILE
    for z in range(ROWS_PER_TILE // CHUNK):
        pltpu.sync_copy(rows0, acc_sh.at[pl.ds(base_row + z * CHUNK, CHUNK)])
    plsc.subcore_barrier()

    ebase = wid * RGN

    def startA(ck, sl):
        idxj, idxi, g, _, sA, _, _ = sl
        b = ebase + ck * CHUNK
        pltpu.async_copy(idxj_hbm.at[pl.ds(b, CHUNK)], idxj, sA)
        pltpu.async_copy(idxi_hbm.at[pl.ds(b, CHUNK)], idxi, sA)
        pltpu.async_copy(g_hbm.at[pl.ds(b, CHUNK)], g, sA)

    def waitA(sl):
        idxj, idxi, g, _, sA, _, _ = sl
        pltpu.make_async_copy(idxj_hbm.at[pl.ds(0, CHUNK)], idxj, sA).wait()
        pltpu.make_async_copy(idxi_hbm.at[pl.ds(0, CHUNK)], idxi, sA).wait()
        pltpu.make_async_copy(g_hbm.at[pl.ds(0, CHUNK)], g, sA).wait()

    def startB(sl):
        idxj, _, _, rows, _, sB, _ = sl
        pltpu.async_copy(t_hbm.at[idxj], rows, sB)

    def waitB(sl):
        idxj, _, _, rows, _, sB, _ = sl
        pltpu.make_async_copy(t_hbm.at[idxj], rows, sB).wait()

    def startS(sl):
        _, idxi, _, rows, _, _, sS = sl
        pltpu.async_copy(rows, acc_sh.at[idxi], sS, add=True)

    def waitS(sl):
        _, idxi, _, rows, _, _, sS = sl
        pltpu.make_async_copy(rows, acc_sh.at[idxi], sS).wait()

    def mul(sl):
        _, _, g, rows, _, _, _ = sl

        @plsc.parallel_loop(0, CHUNK, 1, unroll=4)
        def _mul(r):
            for cc in range(F // 16):
                slc = pl.ds(cc * 16, 16)
                rows[r, slc] = rows[r, slc] * g[r, slc]

    s0, s1 = slots
    startA(0, s0)
    startA(1, s1)
    waitA(s0)
    startB(s0)

    def pair(p, _):
        cbase = 2 * p
        waitB(s0)
        waitA(s1)
        startB(s1)
        mul(s0)
        startS(s0)
        waitB(s1)
        mul(s1)
        waitS(s0)
        startA(cbase + 2, s0)
        startS(s1)
        waitA(s0)
        startB(s0)
        waitS(s1)
        startA(cbase + 3, s1)
        return 0

    lax.fori_loop(0, PAIRS, pair, 0)
    waitB(s0)
    waitA(s1)
    plsc.subcore_barrier()

    pltpu.sync_copy(acc_sh.at[pl.ds(base_row, ROWS_PER_TILE)],
                    out_hbm.at[c, pl.ds(base_row, ROWS_PER_TILE)])


def _sc_edges(t, g, idx_i_pad, idx_j_pad):
    mesh = plsc.VectorSubcoreMesh(core_axis_name="c", subcore_axis_name="s")
    return pl.kernel(
        _sc_edges_body,
        out_type=jax.ShapeDtypeStruct((NC, N_PAD, F), jnp.float32),
        mesh=mesh,
        scratch_types=[
            pltpu.VMEM((CHUNK,), jnp.int32),
            pltpu.VMEM((CHUNK,), jnp.int32),
            pltpu.VMEM((CHUNK,), jnp.int32),
            pltpu.VMEM((CHUNK,), jnp.int32),
            pltpu.VMEM((CHUNK, F), jnp.float32),
            pltpu.VMEM((CHUNK, F), jnp.float32),
            pltpu.VMEM((CHUNK, F), jnp.float32),
            pltpu.VMEM((CHUNK, F), jnp.float32),
            pltpu.SemaphoreType.DMA,
            pltpu.SemaphoreType.DMA,
            pltpu.SemaphoreType.DMA,
            pltpu.SemaphoreType.DMA,
            pltpu.SemaphoreType.DMA,
            pltpu.SemaphoreType.DMA,
            pltpu.VMEM_SHARED((N_PAD, F), jnp.float32),
        ],
    )(t, g, idx_i_pad, idx_j_pad)


def _post_body(x0_ref, p_ref, emb_ref, rw1_ref, rb1_ref, rw2_ref, rb2_ref,
               gate_ref, wv_ref, bv_ref, ow1_ref, ob1_ref, ow2_ref, ob2_ref,
               wo_ref, bo_ref, eo_ref, pred_ref):
    x = x0_ref[...] + p_ref[0] + p_ref[1]
    for r in range(3):
        h = _softplus(x)
        h = _softplus(jnp.dot(h, rw1_ref[r], preferred_element_type=jnp.float32)
                      + rb1_ref[r])
        h = jnp.dot(h, rw2_ref[r], preferred_element_type=jnp.float32) + rb2_ref[r]
        x = x + h
    x = _softplus(x)
    eo = gate_ref[...] * emb_ref[...] + (
        jnp.dot(x, wv_ref[...], preferred_element_type=jnp.float32) + bv_ref[...])
    eo_ref[...] = eo
    y = eo
    for r in range(2):
        h = _softplus(y)
        h = _softplus(jnp.dot(h, ow1_ref[r], preferred_element_type=jnp.float32)
                      + ob1_ref[r])
        h = jnp.dot(h, ow2_ref[r], preferred_element_type=jnp.float32) + ob2_ref[r]
        y = y + h
    pred_ref[...] = jnp.dot(y, wo_ref[...],
                            preferred_element_type=jnp.float32) + bo_ref[...]


def _post(x0, partials, emb, res_W1, res_b1, res_W2, res_b2, gate, Wv, bv,
          ores_W1, ores_b1, ores_W2, ores_b2, Wo_pad, bo_pad):
    nb = 1000
    grid = N // nb
    blk = pl.BlockSpec((nb, F), lambda i: (i, 0))
    pblk = pl.BlockSpec((NC, nb, F), lambda i: (0, i, 0))
    wfull = pl.BlockSpec((F, F), lambda i: (0, 0))
    brow = pl.BlockSpec((1, F), lambda i: (0, 0))
    w3 = pl.BlockSpec((3, F, F), lambda i: (0, 0, 0))
    b3 = pl.BlockSpec((3, 1, F), lambda i: (0, 0, 0))
    w2 = pl.BlockSpec((2, F, F), lambda i: (0, 0, 0))
    b2 = pl.BlockSpec((2, 1, F), lambda i: (0, 0, 0))
    out = jax.ShapeDtypeStruct((N, F), jnp.float32)
    return pl.pallas_call(
        _post_body,
        grid=(grid,),
        in_specs=[blk, pblk, blk, w3, b3, w3, b3, brow, wfull, brow,
                  w2, b2, w2, b2, wfull, brow],
        out_specs=[blk, blk],
        out_shape=[out, out],
    )(x0, partials, emb,
      res_W1, res_b1.reshape(3, 1, F), res_W2, res_b2.reshape(3, 1, F),
      gate.reshape(1, F), Wv, bv.reshape(1, F),
      ores_W1, ores_b1.reshape(2, 1, F), ores_W2, ores_b2.reshape(2, 1, F),
      Wo_pad, bo_pad)


def kernel(atomic_embedding, f_ij, Wg, Wi, bi, Wj, bj, Wv, bv, gate,
           res_W1, res_b1, res_W2, res_b2,
           ores_W1, ores_b1, ores_W2, ores_b2, Wo, bo, pair_indices):
    emb, x0, t = _node_pre(atomic_embedding, Wi, bi, Wj, bj)
    g = _edge_g(f_ij, Wg)
    ii = jnp.full((NW, RGN), PAD_ROW, jnp.int32)
    ii = ii.at[:, :EDGES_PER_W].set(pair_indices[0].reshape(NW, EDGES_PER_W))
    jj = jnp.zeros((NW, RGN), jnp.int32)
    jj = jj.at[:, :EDGES_PER_W].set(pair_indices[1].reshape(NW, EDGES_PER_W))
    partials = _sc_edges(t, g, ii.reshape(E_PAD), jj.reshape(E_PAD))[:, :N, :]
    Wo_pad = jnp.zeros((F, F), jnp.float32).at[:, :2].set(Wo)
    bo_pad = jnp.zeros((1, F), jnp.float32).at[:, :2].set(bo.reshape(1, 2))
    emb_out, pred_pad = _post(x0, partials, emb,
                              res_W1, res_b1, res_W2, res_b2, gate, Wv, bv,
                              ores_W1, ores_b1, ores_W2, ores_b2, Wo_pad, bo_pad)
    return (pred_pad[:, :2], emb_out)

# --- scband reference (transcript-rebuilt; emitter-appended) ---
"""Pipeline reference for scband-phys-net-core-42880953484208 (READ-ONLY COPY).

The authoritative reference and input builder live on the scoring server;
editing this copy changes nothing except your own understanding.
"""

import jax, jax.numpy as jnp
import numpy as np

N = 10000
F = 128
E = 320000
R = 16


def setup_inputs(seed: int = 0) -> dict:
    key = jax.random.key(seed)
    ks = jax.random.split(key, 12)
    s = 1.0 / np.sqrt(F)

    def lin(k, shape, scale):
        return jax.random.normal(k, shape, dtype=jnp.float32) * scale

    inp = {}
    inp["atomic_embedding"] = jax.random.normal(ks[0], (N, F), dtype=jnp.float32)
    inp["f_ij"] = jax.random.uniform(ks[1], (E, R), dtype=jnp.float32)
    # learned parameters (weights stored pre-transposed vs torch Linear: y = x @ W + b)
    inp["Wg"] = lin(ks[2], (R, F), 0.05)   # attention_mask (bias=False; zeros-init in torch, small random here)
    inp["Wi"] = lin(ks[3], (F, F), s)
    inp["bi"] = jnp.zeros((F,), jnp.float32)
    inp["Wj"] = lin(ks[4], (F, F), s)
    inp["bj"] = jnp.zeros((F,), jnp.float32)
    inp["Wv"] = lin(ks[5], (F, F), s)
    inp["bv"] = jnp.zeros((F,), jnp.float32)
    inp["gate"] = jnp.ones((F,), jnp.float32)
    inp["res_W1"] = lin(ks[6], (3, F, F), s)
    inp["res_b1"] = jnp.zeros((3, F), jnp.float32)
    inp["res_W2"] = lin(ks[7], (3, F, F), s)
    inp["res_b2"] = jnp.zeros((3, F), jnp.float32)
    inp["ores_W1"] = lin(ks[8], (2, F, F), s)
    inp["ores_b1"] = jnp.zeros((2, F), jnp.float32)
    inp["ores_W2"] = lin(ks[9], (2, F, F), s)
    inp["ores_b2"] = jnp.zeros((2, F), jnp.float32)
    inp["Wo"] = lin(ks[10], (F, 2), 0.05)  # output head (zeros-init in torch)
    inp["bo"] = jnp.zeros((2,), jnp.float32)
    inp["pair_indices"] = jax.random.randint(ks[11], (2, E), 0, N, dtype=jnp.int32)
    return inp


def reference(atomic_embedding, f_ij, Wg, Wi, bi, Wj, bj, Wv, bv, gate,
              res_W1, res_b1, res_W2, res_b2,
              ores_W1, ores_b1, ores_W2, ores_b2, Wo, bo, pair_indices):
    sp = jax.nn.softplus
    idx_i = pair_indices[0]
    idx_j = pair_indices[1]
    # PhysNetInteractionModule
    emb = sp(atomic_embedding)
    g = f_ij @ Wg
    x = sp(emb @ Wi + bi)
    xj = sp(emb[idx_j] @ Wj + bj) * g
    x = x.at[idx_i].add(xj)  # scatter_add over destination atoms
    for r in range(3):  # interaction residual blocks (preactivation)
        h = sp(x)
        h = sp(h @ res_W1[r] + res_b1[r])
        h = h @ res_W2[r] + res_b2[r]
        x = x + h
    x = sp(x)
    emb_out = gate * emb + (x @ Wv + bv)  # dropout is identity at inference
    # PhysNetOutput
    y = emb_out
    for r in range(2):
        h = sp(y)
        h = sp(h @ ores_W1[r] + ores_b1[r])
        h = h @ ores_W2[r] + ores_b2[r]
        y = y + h
    pred = y @ Wo + bo
    return (pred, emb_out)

if __name__ == "__main__":
    import jax
    _d = setup_inputs()
    print(jax.jit(kernel)(*tuple(_d.values())))

</pallas_src>

<mosaic_0001>
#map = affine_map<(d0, d1) -> (0, 0)>
#map1 = affine_map<(d0, d1) -> (0)>
#map2 = affine_map<(d0, d1) -> (0, 0, 0)>
module attributes {stable_mosaic.version = 14 : i64} {
  func.func @_sc_edges_body(%arg0: i32, %arg1: i32, %arg2: memref<10000x128xf32, #tpu.memory_space<hbm>>, %arg3: memref<327680x128xf32, #tpu.memory_space<hbm>>, %arg4: memref<327680xi32, #tpu.memory_space<hbm>>, %arg5: memref<327680xi32, #tpu.memory_space<hbm>>, %arg6: memref<2x10240x128xf32, #tpu.memory_space<hbm>>, %arg7: memref<64xi32, #tpu.memory_space<vmem>>, %arg8: memref<64xi32, #tpu.memory_space<vmem>>, %arg9: memref<64xi32, #tpu.memory_space<vmem>>, %arg10: memref<64xi32, #tpu.memory_space<vmem>>, %arg11: memref<64x128xf32, #tpu.memory_space<vmem>>, %arg12: memref<64x128xf32, #tpu.memory_space<vmem>>, %arg13: memref<64x128xf32, #tpu.memory_space<vmem>>, %arg14: memref<64x128xf32, #tpu.memory_space<vmem>>, %arg15: memref<!tpu.dma_semaphore, #tpu.memory_space<semaphore_mem>>, %arg16: memref<!tpu.dma_semaphore, #tpu.memory_space<semaphore_mem>>, %arg17: memref<!tpu.dma_semaphore, #tpu.memory_space<semaphore_mem>>, %arg18: memref<!tpu.dma_semaphore, #tpu.memory_space<semaphore_mem>>, %arg19: memref<!tpu.dma_semaphore, #tpu.memory_space<semaphore_mem>>, %arg20: memref<!tpu.dma_semaphore, #tpu.memory_space<semaphore_mem>>, %arg21: memref<10240x128xf32, #tpu.memory_space<vmem_shared>>) attributes {dimension_semantics = [#tpu.dimension_semantics<core_parallel>, #tpu.dimension_semantics<subcore_parallel>], iteration_bounds = array<i64: 2, 16>, scalar_prefetch = 0 : i64, scratch_operands = 15 : i64, tpu.core_type = #tpu.core_type<sc_vector_subcore>, window_params = [{transform_indices = #map}, {transform_indices = #map}, {transform_indices = #map1}, {transform_indices = #map1}, {transform_indices = #map2}]} {
    %mul3A = arith.constant 16 : i32
    %mul3A_0 = arith.muli %arg0, %mul3A : i32
    %add3A = arith.addi %mul3A_0, %arg1 : i32
    %parallel_loop3A = arith.constant 0 : i32
    %parallel_loop3A_1 = arith.constant 64 : i32
    %parallel_loop3A_2 = arith.constant 1 : i32
    scf.for %parallel_loop3A_86 = %parallel_loop3A to %parallel_loop3A_1 step %parallel_loop3A_2  : i32 {
      %parallel_loop3A_87 = arith.constant 0.000000e+00 : f32
      %parallel_loop3A_88 = vector.broadcast %parallel_loop3A_87 : f32 to vector<16xf32>
      %parallel_loop3A_89 = arith.index_cast %parallel_loop3A_86 : i32 to index
      %parallel_loop3A_90 = arith.constant 0 : index
      %parallel_loop3A_91 = tpu.vector_load %arg13[%parallel_loop3A_89, %parallel_loop3A_90] {strides = array<i32>} : memref<64x128xf32, #tpu.memory_space<vmem>>, vector<1x16xf32>,
      %parallel_loop3A_92 = vector.shape_cast %parallel_loop3A_91 : vector<1x16xf32> to vector<16xf32>
      %parallel_loop3A_93 = vector.shape_cast %parallel_loop3A_88 : vector<16xf32> to vector<1x16xf32>
      tpu.vector_store %arg13[%parallel_loop3A_89, %parallel_loop3A_90], %parallel_loop3A_93 {strides = array<i32>} : memref<64x128xf32, #tpu.memory_space<vmem>>, vector<1x16xf32>,
      %parallel_loop3A_94 = arith.constant 0.000000e+00 : f32
      %parallel_loop3A_95 = vector.broadcast %parallel_loop3A_94 : f32 to vector<16xf32>
      %parallel_loop3A_96 = arith.index_cast %parallel_loop3A_86 : i32 to index
      %parallel_loop3A_97 = arith.constant 16 : index
      %parallel_loop3A_98 = tpu.vector_load %arg13[%parallel_loop3A_96, %parallel_loop3A_97] {strides = array<i32>} : memref<64x128xf32, #tpu.memory_space<vmem>>, vector<1x16xf32>,
      %parallel_loop3A_99 = vector.shape_cast %parallel_loop3A_98 : vector<1x16xf32> to vector<16xf32>
      %parallel_loop3A_100 = vector.shape_cast %parallel_loop3A_95 : vector<16xf32> to vector<1x16xf32>
      tpu.vector_store %arg13[%parallel_loop3A_96, %parallel_loop3A_97], %parallel_loop3A_100 {strides = array<i32>} : memref<64x128xf32, #tpu.memory_space<vmem>>, vector<1x16xf32>,
      %parallel_loop3A_101 = arith.constant 0.000000e+00 : f32
      %parallel_loop3A_102 = vector.broadcast %parallel_loop3A_101 : f32 to vector<16xf32>
      %parallel_loop3A_103 = arith.index_cast %parallel_loop3A_86 : i32 to index
      %parallel_loop3A_104 = arith.constant 32 : index
      %parallel_loop3A_105 = tpu.vector_load %arg13[%parallel_loop3A_103, %parallel_loop3A_104] {strides = array<i32>} : memref<64x128xf32, #tpu.memory_space<vmem>>, vector<1x16xf32>,
      %parallel_loop3A_106 = vector.shape_cast %parallel_loop3A_105 : vector<1x16xf32> to vector<16xf32>
      %parallel_loop3A_107 = vector.shape_cast %parallel_loop3A_102 : vector<16xf32> to vector<1x16xf32>
      tpu.vector_store %arg13[%parallel_loop3A_103, %parallel_loop3A_104], %parallel_loop3A_107 {strides = array<i32>} : memref<64x128xf32, #tpu.memory_space<vmem>>, vector<1x16xf32>,
      %parallel_loop3A_108 = arith.constant 0.000000e+00 : f32
      %parallel_loop3A_109 = vector.broadcast %parallel_loop3A_108 : f32 to vector<16xf32>
      %parallel_loop3A_110 = arith.index_cast %parallel_loop3A_86 : i32 to index
      %parallel_loop3A_111 = arith.constant 48 : index
      %parallel_loop3A_112 = tpu.vector_load %arg13[%parallel_loop3A_110, %parallel_loop3A_111] {strides = array<i32>} : memref<64x128xf32, #tpu.memory_space<vmem>>, vector<1x16xf32>,
      %parallel_loop3A_113 = vector.shape_cast %parallel_loop3A_112 : vector<1x16xf32> to vector<16xf32>
      %parallel_loop3A_114 = vector.shape_cast %parallel_loop3A_109 : vector<16xf32> to vector<1x16xf32>
      tpu.vector_store %arg13[%parallel_loop3A_110, %parallel_loop3A_111], %parallel_loop3A_114 {strides = array<i32>} : memref<64x128xf32, #tpu.memory_space<vmem>>, vector<1x16xf32>,
      %parallel_loop3A_115 = arith.constant 0.000000e+00 : f32
      %parallel_loop3A_116 = vector.broadcast %parallel_loop3A_115 : f32 to vector<16xf32>
      %parallel_loop3A_117 = arith.index_cast %parallel_loop3A_86 : i32 to index
      %parallel_loop3A_118 = arith.constant 64 : index
      %parallel_loop3A_119 = tpu.vector_load %arg13[%parallel_loop3A_117, %parallel_loop3A_118] {strides = array<i32>} : memref<64x128xf32, #tpu.memory_space<vmem>>, vector<1x16xf32>,
      %parallel_loop3A_120 = vector.shape_cast %parallel_loop3A_119 : vector<1x16xf32> to vector<16xf32>
      %parallel_loop3A_121 = vector.shape_cast %parallel_loop3A_116 : vector<16xf32> to vector<1x16xf32>
      tpu.vector_store %arg13[%parallel_loop3A_117, %parallel_loop3A_118], %parallel_loop3A_121 {strides = array<i32>} : memref<64x128xf32, #tpu.memory_space<vmem>>, vector<1x16xf32>,
      %parallel_loop3A_122 = arith.constant 0.000000e+00 : f32
      %parallel_loop3A_123 = vector.broadcast %parallel_loop3A_122 : f32 to vector<16xf32>
      %parallel_loop3A_124 = arith.index_cast %parallel_loop3A_86 : i32 to index
      %parallel_loop3A_125 = arith.constant 80 : index
      %parallel_loop3A_126 = tpu.vector_load %arg13[%parallel_loop3A_124, %parallel_loop3A_125] {strides = array<i32>} : memref<64x128xf32, #tpu.memory_space<vmem>>, vector<1x16xf32>,
      %parallel_loop3A_127 = vector.shape_cast %parallel_loop3A_126 : vector<1x16xf32> to vector<16xf32>
      %parallel_loop3A_128 = vector.shape_cast %parallel_loop3A_123 : vector<16xf32> to vector<1x16xf32>
      tpu.vector_store %arg13[%parallel_loop3A_124, %parallel_loop3A_125], %parallel_loop3A_128 {strides = array<i32>} : memref<64x128xf32, #tpu.memory_space<vmem>>, vector<1x16xf32>,
      %parallel_loop3A_129 = arith.constant 0.000000e+00 : f32
      %parallel_loop3A_130 = vector.broadcast %parallel_loop3A_129 : f32 to vector<16xf32>
      %parallel_loop3A_131 = arith.index_cast %parallel_loop3A_86 : i32 to index
      %parallel_loop3A_132 = arith.constant 96 : index
      %parallel_loop3A_133 = tpu.vector_load %arg13[%parallel_loop3A_131, %parallel_loop3A_132] {strides = array<i32>} : memref<64x128xf32, #tpu.memory_space<vmem>>, vector<1x16xf32>,
      %parallel_loop3A_134 = vector.shape_cast %parallel_loop3A_133 : vector<1x16xf32> to vector<16xf32>
      %parallel_loop3A_135 = vector.shape_cast %parallel_loop3A_130 : vector<16xf32> to vector<1x16xf32>
      tpu.vector_store %arg13[%parallel_loop3A_131, %parallel_loop3A_132], %parallel_loop3A_135 {strides = array<i32>} : memref<64x128xf32, #tpu.memory_space<vmem>>, vector<1x16xf32>,
      %parallel_loop3A_136 = arith.constant 0.000000e+00 : f32
      %parallel_loop3A_137 = vector.broadcast %parallel_loop3A_136 : f32 to vector<16xf32>
      %parallel_loop3A_138 = arith.index_cast %parallel_loop3A_86 : i32 to index
      %parallel_loop3A_139 = arith.constant 112 : index
      %parallel_loop3A_140 = tpu.vector_load %arg13[%parallel_loop3A_138, %parallel_loop3A_139] {strides = array<i32>} : memref<64x128xf32, #tpu.memory_space<vmem>>, vector<1x16xf32>,
      %parallel_loop3A_141 = vector.shape_cast %parallel_loop3A_140 : vector<1x16xf32> to vector<16xf32>
      %parallel_loop3A_142 = vector.shape_cast %parallel_loop3A_137 : vector<16xf32> to vector<1x16xf32>
      tpu.vector_store %arg13[%parallel_loop3A_138, %parallel_loop3A_139], %parallel_loop3A_142 {strides = array<i32>} : memref<64x128xf32, #tpu.memory_space<vmem>>, vector<1x16xf32>,
    } {sc.loop_unroll_factor = 2 : i64, sc.parallel_access}
    %mul3A_3 = arith.constant 640 : i32
    %mul3A_4 = arith.muli %arg1, %mul3A_3 : i32
    %add3A_5 = arith.constant 0 : i32
    %add3A_6 = arith.addi %mul3A_4, %add3A_5 : i32
    "tpu.region"() ({
      %run_scoped3A = tpu.sem_alloc : memref<!tpu.dma_semaphore, #tpu.memory_space<semaphore_mem>>
      %dma_start3A_86 = arith.constant 0 : i32
      %dma_start3A_87 = tpu.memref_slice %arg21[%add3A_6, %dma_start3A_86] : memref<10240x128xf32, #tpu.memory_space<vmem_shared>> -> memref<64x128xf32, #tpu.memory_space<vmem_shared>>
      %dma_start3A_88 = arith.constant 0 : i32
      %dma_start3A_89 = tpu.memref_slice %arg21[%add3A_6, %dma_start3A_88] : memref<10240x128xf32, #tpu.memory_space<vmem_shared>> -> memref<64x128xf32, #tpu.memory_space<vmem_shared>>
      tpu.enqueue_dma source(%arg13 : memref<64x128xf32, #tpu.memory_space<vmem>>) target(%dma_start3A_89 : memref<64x128xf32, #tpu.memory_space<vmem_shared>>) target_semaphore(%run_scoped3A : memref<!tpu.dma_semaphore, #tpu.memory_space<semaphore_mem>>)
      %dma_wait3A_90 = arith.constant 0 : i32
      %dma_wait3A_91 = tpu.memref_slice %arg21[%add3A_6, %dma_wait3A_90] : memref<10240x128xf32, #tpu.memory_space<vmem_shared>> -> memref<64x128xf32, #tpu.memory_space<vmem_shared>>
      %dma_wait3A_92 = arith.constant 0 : i32
      %dma_wait3A_93 = tpu.memref_slice %arg21[%add3A_6, %dma_wait3A_92] : memref<10240x128xf32, #tpu.memory_space<vmem_shared>> -> memref<64x128xf32, #tpu.memory_space<vmem_shared>>
      tpu.wait_dma2 semaphore(%run_scoped3A : memref<!tpu.dma_semaphore, #tpu.memory_space<semaphore_mem>>) src(%arg13 : memref<64x128xf32, #tpu.memory_space<vmem>>) dst(%dma_wait3A_93 : memref<64x128xf32, #tpu.memory_space<vmem_shared>>)
      tpu.yield
    }) : () -> ()
    %add3A_7 = arith.constant 64 : i32
    %add3A_8 = arith.addi %mul3A_4, %add3A_7 : i32
    "tpu.region"() ({
      %run_scoped3A = tpu.sem_alloc : memref<!tpu.dma_semaphore, #tpu.memory_space<semaphore_mem>>
      %dma_start3A_86 = arith.constant 0 : i32
      %dma_start3A_87 = tpu.memref_slice %arg21[%add3A_8, %dma_start3A_86] : memref<10240x128xf32, #tpu.memory_space<vmem_shared>> -> memref<64x128xf32, #tpu.memory_space<vmem_shared>>
      %dma_start3A_88 = arith.constant 0 : i32
      %dma_start3A_89 = tpu.memref_slice %arg21[%add3A_8, %dma_start3A_88] : memref<10240x128xf32, #tpu.memory_space<vmem_shared>> -> memref<64x128xf32, #tpu.memory_space<vmem_shared>>
      tpu.enqueue_dma source(%arg13 : memref<64x128xf32, #tpu.memory_space<vmem>>) target(%dma_start3A_89 : memref<64x128xf32, #tpu.memory_space<vmem_shared>>) target_semaphore(%run_scoped3A : memref<!tpu.dma_semaphore, #tpu.memory_space<semaphore_mem>>)
      %dma_wait3A_90 = arith.constant 0 : i32
      %dma_wait3A_91 = tpu.memref_slice %arg21[%add3A_8, %dma_wait3A_90] : memref<10240x128xf32, #tpu.memory_space<vmem_shared>> -> memref<64x128xf32, #tpu.memory_space<vmem_shared>>
      %dma_wait3A_92 = arith.constant 0 : i32
      %dma_wait3A_93 = tpu.memref_slice %arg21[%add3A_8, %dma_wait3A_92] : memref<10240x128xf32, #tpu.memory_space<vmem_shared>> -> memref<64x128xf32, #tpu.memory_space<vmem_shared>>
      tpu.wait_dma2 semaphore(%run_scoped3A : memref<!tpu.dma_semaphore, #tpu.memory_space<semaphore_mem>>) src(%arg13 : memref<64x128xf32, #tpu.memory_space<vmem>>) dst(%dma_wait3A_93 : memref<64x128xf32, #tpu.memory_space<vmem_shared>>)
      tpu.yield
    }) : () -> ()
    %add3A_9 = arith.constant 128 : i32
    %add3A_10 = arith.addi %mul3A_4, %add3A_9 : i32
    "tpu.region"() ({
      %run_scoped3A = tpu.sem_alloc : memref<!tpu.dma_semaphore, #tpu.memory_space<semaphore_mem>>
      %dma_start3A_86 = arith.constant 0 : i32
      %dma_start3A_87 = tpu.memref_slice %arg21[%add3A_10, %dma_start3A_86] : memref<10240x128xf32, #tpu.memory_space<vmem_shared>> -> memref<64x128xf32, #tpu.memory_space<vmem_shared>>
      %dma_start3A_88 = arith.constant 0 : i32
      %dma_start3A_89 = tpu.memref_slice %arg21[%add3A_10, %dma_start3A_88] : memref<10240x128xf32, #tpu.memory_space<vmem_shared>> -> memref<64x128xf32, #tpu.memory_space<vmem_shared>>
      tpu.enqueue_dma source(%arg13 : memref<64x128xf32, #tpu.memory_space<vmem>>) target(%dma_start3A_89 : memref<64x128xf32, #tpu.memory_space<vmem_shared>>) target_semaphore(%run_scoped3A : memref<!tpu.dma_semaphore, #tpu.memory_space<semaphore_mem>>)
      %dma_wait3A_90 = arith.constant 0 : i32
      %dma_wait3A_91 = tpu.memref_slice %arg21[%add3A_10, %dma_wait3A_90] : memref<10240x128xf32, #tpu.memory_space<vmem_shared>> -> memref<64x128xf32, #tpu.memory_space<vmem_shared>>
      %dma_wait3A_92 = arith.constant 0 : i32
      %dma_wait3A_93 = tpu.memref_slice %arg21[%add3A_10, %dma_wait3A_92] : memref<10240x128xf32, #tpu.memory_space<vmem_shared>> -> memref<64x128xf32, #tpu.memory_space<vmem_shared>>
      tpu.wait_dma2 semaphore(%run_scoped3A : memref<!tpu.dma_semaphore, #tpu.memory_space<semaphore_mem>>) src(%arg13 : memref<64x128xf32, #tpu.memory_space<vmem>>) dst(%dma_wait3A_93 : memref<64x128xf32, #tpu.memory_space<vmem_shared>>)
      tpu.yield
    }) : () -> ()
    %add3A_11 = arith.constant 192 : i32
    %add3A_12 = arith.addi %mul3A_4, %add3A_11 : i32
    "tpu.region"() ({
      %run_scoped3A = tpu.sem_alloc : memref<!tpu.dma_semaphore, #tpu.memory_space<semaphore_mem>>
      %dma_start3A_86 = arith.constant 0 : i32
      %dma_start3A_87 = tpu.memref_slice %arg21[%add3A_12, %dma_start3A_86] : memref<10240x128xf32, #tpu.memory_space<vmem_shared>> -> memref<64x128xf32, #tpu.memory_space<vmem_shared>>
      %dma_start3A_88 = arith.constant 0 : i32
      %dma_start3A_89 = tpu.memref_slice %arg21[%add3A_12, %dma_start3A_88] : memref<10240x128xf32, #tpu.memory_space<vmem_shared>> -> memref<64x128xf32, #tpu.memory_space<vmem_shared>>
      tpu.enqueue_dma source(%arg13 : memref<64x128xf32, #tpu.memory_space<vmem>>) target(%dma_start3A_89 : memref<64x128xf32, #tpu.memory_space<vmem_shared>>) target_semaphore(%run_scoped3A : memref<!tpu.dma_semaphore, #tpu.memory_space<semaphore_mem>>)
      %dma_wait3A_90 = arith.constant 0 : i32
      %dma_wait3A_91 = tpu.memref_slice %arg21[%add3A_12, %dma_wait3A_90] : memref<10240x128xf32, #tpu.memory_space<vmem_shared>> -> memref<64x128xf32, #tpu.memory_space<vmem_shared>>
      %dma_wait3A_92 = arith.constant 0 : i32
      %dma_wait3A_93 = tpu.memref_slice %arg21[%add3A_12, %dma_wait3A_92] : memref<10240x128xf32, #tpu.memory_space<vmem_shared>> -> memref<64x128xf32, #tpu.memory_space<vmem_shared>>
      tpu.wait_dma2 semaphore(%run_scoped3A : memref<!tpu.dma_semaphore, #tpu.memory_space<semaphore_mem>>) src(%arg13 : memref<64x128xf32, #tpu.memory_space<vmem>>) dst(%dma_wait3A_93 : memref<64x128xf32, #tpu.memory_space<vmem_shared>>)
      tpu.yield
    }) : () -> ()
    %add3A_13 = arith.constant 256 : i32
    %add3A_14 = arith.addi %mul3A_4, %add3A_13 : i32
    "tpu.region"() ({
      %run_scoped3A = tpu.sem_alloc : memref<!tpu.dma_semaphore, #tpu.memory_space<semaphore_mem>>
      %dma_start3A_86 = arith.constant 0 : i32
      %dma_start3A_87 = tpu.memref_slice %arg21[%add3A_14, %dma_start3A_86] : memref<10240x128xf32, #tpu.memory_space<vmem_shared>> -> memref<64x128xf32, #tpu.memory_space<vmem_shared>>
      %dma_start3A_88 = arith.constant 0 : i32
      %dma_start3A_89 = tpu.memref_slice %arg21[%add3A_14, %dma_start3A_88] : memref<10240x128xf32, #tpu.memory_space<vmem_shared>> -> memref<64x128xf32, #tpu.memory_space<vmem_shared>>
      tpu.enqueue_dma source(%arg13 : memref<64x128xf32, #tpu.memory_space<vmem>>) target(%dma_start3A_89 : memref<64x128xf32, #tpu.memory_space<vmem_shared>>) target_semaphore(%run_scoped3A : memref<!tpu.dma_semaphore, #tpu.memory_space<semaphore_mem>>)
      %dma_wait3A_90 = arith.constant 0 : i32
      %dma_wait3A_91 = tpu.memref_slice %arg21[%add3A_14, %dma_wait3A_90] : memref<10240x128xf32, #tpu.memory_space<vmem_shared>> -> memref<64x128xf32, #tpu.memory_space<vmem_shared>>
      %dma_wait3A_92 = arith.constant 0 : i32
      %dma_wait3A_93 = tpu.memref_slice %arg21[%add3A_14, %dma_wait3A_92] : memref<10240x128xf32, #tpu.memory_space<vmem_shared>> -> memref<64x128xf32, #tpu.memory_space<vmem_shared>>
      tpu.wait_dma2 semaphore(%run_scoped3A : memref<!tpu.dma_semaphore, #tpu.memory_space<semaphore_mem>>) src(%arg13 : memref<64x128xf32, #tpu.memory_space<vmem>>) dst(%dma_wait3A_93 : memref<64x128xf32, #tpu.memory_space<vmem_shared>>)
      tpu.yield
    }) : () -> ()
    %add3A_15 = arith.constant 320 : i32
    %add3A_16 = arith.addi %mul3A_4, %add3A_15 : i32
    "tpu.region"() ({
      %run_scoped3A = tpu.sem_alloc : memref<!tpu.dma_semaphore, #tpu.memory_space<semaphore_mem>>
      %dma_start3A_86 = arith.constant 0 : i32
      %dma_start3A_87 = tpu.memref_slice %arg21[%add3A_16, %dma_start3A_86] : memref<10240x128xf32, #tpu.memory_space<vmem_shared>> -> memref<64x128xf32, #tpu.memory_space<vmem_shared>>
      %dma_start3A_88 = arith.constant 0 : i32
      %dma_start3A_89 = tpu.memref_slice %arg21[%add3A_16, %dma_start3A_88] : memref<10240x128xf32, #tpu.memory_space<vmem_shared>> -> memref<64x128xf32, #tpu.memory_space<vmem_shared>>
      tpu.enqueue_dma source(%arg13 : memref<64x128xf32, #tpu.memory_space<vmem>>) target(%dma_start3A_89 : memref<64x128xf32, #tpu.memory_space<vmem_shared>>) target_semaphore(%run_scoped3A : memref<!tpu.dma_semaphore, #tpu.memory_space<semaphore_mem>>)
      %dma_wait3A_90 = arith.constant 0 : i32
      %dma_wait3A_91 = tpu.memref_slice %arg21[%add3A_16, %dma_wait3A_90] : memref<10240x128xf32, #tpu.memory_space<vmem_shared>> -> memref<64x128xf32, #tpu.memory_space<vmem_shared>>
      %dma_wait3A_92 = arith.constant 0 : i32
      %dma_wait3A_93 = tpu.memref_slice %arg21[%add3A_16, %dma_wait3A_92] : memref<10240x128xf32, #tpu.memory_space<vmem_shared>> -> memref<64x128xf32, #tpu.memory_space<vmem_shared>>
      tpu.wait_dma2 semaphore(%run_scoped3A : memref<!tpu.dma_semaphore, #tpu.memory_space<semaphore_mem>>) src(%arg13 : memref<64x128xf32, #tpu.memory_space<vmem>>) dst(%dma_wait3A_93 : memref<64x128xf32, #tpu.memory_space<vmem_shared>>)
      tpu.yield
    }) : () -> ()
    %add3A_17 = arith.constant 384 : i32
    %add3A_18 = arith.addi %mul3A_4, %add3A_17 : i32
    "tpu.region"() ({
      %run_scoped3A = tpu.sem_alloc : memref<!tpu.dma_semaphore, #tpu.memory_space<semaphore_mem>>
      %dma_start3A_86 = arith.constant 0 : i32
      %dma_start3A_87 = tpu.memref_slice %arg21[%add3A_18, %dma_start3A_86] : memref<10240x128xf32, #tpu.memory_space<vmem_shared>> -> memref<64x128xf32, #tpu.memory_space<vmem_shared>>
      %dma_start3A_88 = arith.constant 0 : i32
      %dma_start3A_89 = tpu.memref_slice %arg21[%add3A_18, %dma_start3A_88] : memref<10240x128xf32, #tpu.memory_space<vmem_shared>> -> memref<64x128xf32, #tpu.memory_space<vmem_shared>>
      tpu.enqueue_dma source(%arg13 : memref<64x128xf32, #tpu.memory_space<vmem>>) target(%dma_start3A_89 : memref<64x128xf32, #tpu.memory_space<vmem_shared>>) target_semaphore(%run_scoped3A : memref<!tpu.dma_semaphore, #tpu.memory_space<semaphore_mem>>)
      %dma_wait3A_90 = arith.constant 0 : i32
      %dma_wait3A_91 = tpu.memref_slice %arg21[%add3A_18, %dma_wait3A_90] : memref<10240x128xf32, #tpu.memory_space<vmem_shared>> -> memref<64x128xf32, #tpu.memory_space<vmem_shared>>
      %dma_wait3A_92 = arith.constant 0 : i32
      %dma_wait3A_93 = tpu.memref_slice %arg21[%add3A_18, %dma_wait3A_92] : memref<10240x128xf32, #tpu.memory_space<vmem_shared>> -> memref<64x128xf32, #tpu.memory_space<vmem_shared>>
      tpu.wait_dma2 semaphore(%run_scoped3A : memref<!tpu.dma_semaphore, #tpu.memory_space<semaphore_mem>>) src(%arg13 : memref<64x128xf32, #tpu.memory_space<vmem>>) dst(%dma_wait3A_93 : memref<64x128xf32, #tpu.memory_space<vmem_shared>>)
      tpu.yield
    }) : () -> ()
    %add3A_19 = arith.constant 448 : i32
    %add3A_20 = arith.addi %mul3A_4, %add3A_19 : i32
    "tpu.region"() ({
      %run_scoped3A = tpu.sem_alloc : memref<!tpu.dma_semaphore, #tpu.memory_space<semaphore_mem>>
      %dma_start3A_86 = arith.constant 0 : i32
      %dma_start3A_87 = tpu.memref_slice %arg21[%add3A_20, %dma_start3A_86] : memref<10240x128xf32, #tpu.memory_space<vmem_shared>> -> memref<64x128xf32, #tpu.memory_space<vmem_shared>>
      %dma_start3A_88 = arith.constant 0 : i32
      %dma_start3A_89 = tpu.memref_slice %arg21[%add3A_20, %dma_start3A_88] : memref<10240x128xf32, #tpu.memory_space<vmem_shared>> -> memref<64x128xf32, #tpu.memory_space<vmem_shared>>
      tpu.enqueue_dma source(%arg13 : memref<64x128xf32, #tpu.memory_space<vmem>>) target(%dma_start3A_89 : memref<64x128xf32, #tpu.memory_space<vmem_shared>>) target_semaphore(%run_scoped3A : memref<!tpu.dma_semaphore, #tpu.memory_space<semaphore_mem>>)
      %dma_wait3A_90 = arith.constant 0 : i32
      %dma_wait3A_91 = tpu.memref_slice %arg21[%add3A_20, %dma_wait3A_90] : memref<10240x128xf32, #tpu.memory_space<vmem_shared>> -> memref<64x128xf32, #tpu.memory_space<vmem_shared>>
      %dma_wait3A_92 = arith.constant 0 : i32
      %dma_wait3A_93 = tpu.memref_slice %arg21[%add3A_20, %dma_wait3A_92] : memref<10240x128xf32, #tpu.memory_space<vmem_shared>> -> memref<64x128xf32, #tpu.memory_space<vmem_shared>>
      tpu.wait_dma2 semaphore(%run_scoped3A : memref<!tpu.dma_semaphore, #tpu.memory_space<semaphore_mem>>) src(%arg13 : memref<64x128xf32, #tpu.memory_space<vmem>>) dst(%dma_wait3A_93 : memref<64x128xf32, #tpu.memory_space<vmem_shared>>)
      tpu.yield
    }) : () -> ()
    %add3A_21 = arith.constant 512 : i32
    %add3A_22 = arith.addi %mul3A_4, %add3A_21 : i32
    "tpu.region"() ({
      %run_scoped3A = tpu.sem_alloc : memref<!tpu.dma_semaphore, #tpu.memory_space<semaphore_mem>>
      %dma_start3A_86 = arith.constant 0 : i32
      %dma_start3A_87 = tpu.memref_slice %arg21[%add3A_22, %dma_start3A_86] : memref<10240x128xf32, #tpu.memory_space<vmem_shared>> -> memref<64x128xf32, #tpu.memory_space<vmem_shared>>
      %dma_start3A_88 = arith.constant 0 : i32
      %dma_start3A_89 = tpu.memref_slice %arg21[%add3A_22, %dma_start3A_88] : memref<10240x128xf32, #tpu.memory_space<vmem_shared>> -> memref<64x128xf32, #tpu.memory_space<vmem_shared>>
      tpu.enqueue_dma source(%arg13 : memref<64x128xf32, #tpu.memory_space<vmem>>) target(%dma_start3A_89 : memref<64x128xf32, #tpu.memory_space<vmem_shared>>) target_semaphore(%run_scoped3A : memref<!tpu.dma_semaphore, #tpu.memory_space<semaphore_mem>>)
      %dma_wait3A_90 = arith.constant 0 : i32
      %dma_wait3A_91 = tpu.memref_slice %arg21[%add3A_22, %dma_wait3A_90] : memref<10240x128xf32, #tpu.memory_space<vmem_shared>> -> memref<64x128xf32, #tpu.memory_space<vmem_shared>>
      %dma_wait3A_92 = arith.constant 0 : i32
      %dma_wait3A_93 = tpu.memref_slice %arg21[%add3A_22, %dma_wait3A_92] : memref<10240x128xf32, #tpu.memory_space<vmem_shared>> -> memref<64x128xf32, #tpu.memory_space<vmem_shared>>
      tpu.wait_dma2 semaphore(%run_scoped3A : memref<!tpu.dma_semaphore, #tpu.memory_space<semaphore_mem>>) src(%arg13 : memref<64x128xf32, #tpu.memory_space<vmem>>) dst(%dma_wait3A_93 : memref<64x128xf32, #tpu.memory_space<vmem_shared>>)
      tpu.yield
    }) : () -> ()
    %add3A_23 = arith.constant 576 : i32
    %add3A_24 = arith.addi %mul3A_4, %add3A_23 : i32
    "tpu.region"() ({
      %run_scoped3A = tpu.sem_alloc : memref<!tpu.dma_semaphore, #tpu.memory_space<semaphore_mem>>
      %dma_start3A_86 = arith.constant 0 : i32
      %dma_start3A_87 = tpu.memref_slice %arg21[%add3A_24, %dma_start3A_86] : memref<10240x128xf32, #tpu.memory_space<vmem_shared>> -> memref<64x128xf32, #tpu.memory_space<vmem_shared>>
      %dma_start3A_88 = arith.constant 0 : i32
      %dma_start3A_89 = tpu.memref_slice %arg21[%add3A_24, %dma_start3A_88] : memref<10240x128xf32, #tpu.memory_space<vmem_shared>> -> memref<64x128xf32, #tpu.memory_space<vmem_shared>>
      tpu.enqueue_dma source(%arg13 : memref<64x128xf32, #tpu.memory_space<vmem>>) target(%dma_start3A_89 : memref<64x128xf32, #tpu.memory_space<vmem_shared>>) target_semaphore(%run_scoped3A : memref<!tpu.dma_semaphore, #tpu.memory_space<semaphore_mem>>)
      %dma_wait3A_90 = arith.constant 0 : i32
      %dma_wait3A_91 = tpu.memref_slice %arg21[%add3A_24, %dma_wait3A_90] : memref<10240x128xf32, #tpu.memory_space<vmem_shared>> -> memref<64x128xf32, #tpu.memory_space<vmem_shared>>
      %dma_wait3A_92 = arith.constant 0 : i32
      %dma_wait3A_93 = tpu.memref_slice %arg21[%add3A_24, %dma_wait3A_92] : memref<10240x128xf32, #tpu.memory_space<vmem_shared>> -> memref<64x128xf32, #tpu.memory_space<vmem_shared>>
      tpu.wait_dma2 semaphore(%run_scoped3A : memref<!tpu.dma_semaphore, #tpu.memory_space<semaphore_mem>>) src(%arg13 : memref<64x128xf32, #tpu.memory_space<vmem>>) dst(%dma_wait3A_93 : memref<64x128xf32, #tpu.memory_space<vmem_shared>>)
      tpu.yield
    }) : () -> ()
    %barrier3A = arith.constant 0 : index
    tpu.barrier barrier_id(%barrier3A)
    %mul3A_25 = arith.constant 10240 : i32
    %mul3A_26 = arith.muli %add3A, %mul3A_25 : i32
    %add3A_27 = arith.constant 0 : i32
    %add3A_28 = arith.addi %mul3A_26, %add3A_27 : i32
    %dma_start3A = tpu.memref_slice %arg5[%add3A_28] : memref<327680xi32, #tpu.memory_space<hbm>> -> memref<64xi32, #tpu.memory_space<hbm>>
    %dma_start3A_29 = tpu.memref_slice %arg5[%add3A_28] : memref<327680xi32, #tpu.memory_space<hbm>> -> memref<64xi32, #tpu.memory_space<hbm>>
    tpu.enqueue_dma source(%dma_start3A_29 : memref<64xi32, #tpu.memory_space<hbm>>) target(%arg7 : memref<64xi32, #tpu.memory_space<vmem>>) target_semaphore(%arg15 : memref<!tpu.dma_semaphore, #tpu.memory_space<semaphore_mem>>)
    %dma_start3A_30 = tpu.memref_slice %arg4[%add3A_28] : memref<327680xi32, #tpu.memory_space<hbm>> -> memref<64xi32, #tpu.memory_space<hbm>>
    %dma_start3A_31 = tpu.memref_slice %arg4[%add3A_28] : memref<327680xi32, #tpu.memory_space<hbm>> -> memref<64xi32, #tpu.memory_space<hbm>>
    tpu.enqueue_dma source(%dma_start3A_31 : memref<64xi32, #tpu.memory_space<hbm>>) target(%arg9 : memref<64xi32, #tpu.memory_space<vmem>>) target_semaphore(%arg15 : memref<!tpu.dma_semaphore, #tpu.memory_space<semaphore_mem>>)
    %dma_start3A_32 = arith.constant 0 : i32
    %dma_start3A_33 = tpu.memref_slice %arg3[%add3A_28, %dma_start3A_32] : memref<327680x128xf32, #tpu.memory_space<hbm>> -> memref<64x128xf32, #tpu.memory_space<hbm>>
    %dma_start3A_34 = arith.constant 0 : i32
    %dma_start3A_35 = tpu.memref_slice %arg3[%add3A_28, %dma_start3A_34] : memref<327680x128xf32, #tpu.memory_space<hbm>> -> memref<64x128xf32, #tpu.memory_space<hbm>>
    tpu.enqueue_dma source(%dma_start3A_35 : memref<64x128xf32, #tpu.memory_space<hbm>>) target(%arg11 : memref<64x128xf32, #tpu.memory_space<vmem>>) target_semaphore(%arg15 : memref<!tpu.dma_semaphore, #tpu.memory_space<semaphore_mem>>)
    %add3A_36 = arith.constant 64 : i32
    %add3A_37 = arith.addi %mul3A_26, %add3A_36 : i32
    %dma_start3A_38 = tpu.memref_slice %arg5[%add3A_37] : memref<327680xi32, #tpu.memory_space<hbm>> -> memref<64xi32, #tpu.memory_space<hbm>>
    %dma_start3A_39 = tpu.memref_slice %arg5[%add3A_37] : memref<327680xi32, #tpu.memory_space<hbm>> -> memref<64xi32, #tpu.memory_space<hbm>>
    tpu.enqueue_dma source(%dma_start3A_39 : memref<64xi32, #tpu.memory_space<hbm>>) target(%arg8 : memref<64xi32, #tpu.memory_space<vmem>>) target_semaphore(%arg16 : memref<!tpu.dma_semaphore, #tpu.memory_space<semaphore_mem>>)
    %dma_start3A_40 = tpu.memref_slice %arg4[%add3A_37] : memref<327680xi32, #tpu.memory_space<hbm>> -> memref<64xi32, #tpu.memory_space<hbm>>
    %dma_start3A_41 = tpu.memref_slice %arg4[%add3A_37] : memref<327680xi32, #tpu.memory_space<hbm>> -> memref<64xi32, #tpu.memory_space<hbm>>
    tpu.enqueue_dma source(%dma_start3A_41 : memref<64xi32, #tpu.memory_space<hbm>>) target(%arg10 : memref<64xi32, #tpu.memory_space<vmem>>) target_semaphore(%arg16 : memref<!tpu.dma_semaphore, #tpu.memory_space<semaphore_mem>>)
    %dma_start3A_42 = arith.constant 0 : i32
    %dma_start3A_43 = tpu.memref_slice %arg3[%add3A_37, %dma_start3A_42] : memref<327680x128xf32, #tpu.memory_space<hbm>> -> memref<64x128xf32, #tpu.memory_space<hbm>>
    %dma_start3A_44 = arith.constant 0 : i32
    %dma_start3A_45 = tpu.memref_slice %arg3[%add3A_37, %dma_start3A_44] : memref<327680x128xf32, #tpu.memory_space<hbm>> -> memref<64x128xf32, #tpu.memory_space<hbm>>
    tpu.enqueue_dma source(%dma_start3A_45 : memref<64x128xf32, #tpu.memory_space<hbm>>) target(%arg12 : memref<64x128xf32, #tpu.memory_space<vmem>>) target_semaphore(%arg16 : memref<!tpu.dma_semaphore, #tpu.memory_space<semaphore_mem>>)
    %dma_wait3A = arith.constant 0 : i32
    %dma_wait3A_46 = tpu.memref_slice %arg5[%dma_wait3A] : memref<327680xi32, #tpu.memory_space<hbm>> -> memref<64xi32, #tpu.memory_space<hbm>>
    %dma_wait3A_47 = arith.constant 0 : i32
    %dma_wait3A_48 = tpu.memref_slice %arg5[%dma_wait3A_47] : memref<327680xi32, #tpu.memory_space<hbm>> -> memref<64xi32, #tpu.memory_space<hbm>>
    tpu.wait_dma2 semaphore(%arg15 : memref<!tpu.dma_semaphore, #tpu.memory_space<semaphore_mem>>) src(%dma_wait3A_48 : memref<64xi32, #tpu.memory_space<hbm>>) dst(%arg7 : memref<64xi32, #tpu.memory_space<vmem>>)
    %dma_wait3A_49 = arith.constant 0 : i32
    %dma_wait3A_50 = tpu.memref_slice %arg4[%dma_wait3A_49] : memref<327680xi32, #tpu.memory_space<hbm>> -> memref<64xi32, #tpu.memory_space<hbm>>
    %dma_wait3A_51 = arith.constant 0 : i32
    %dma_wait3A_52 = tpu.memref_slice %arg4[%dma_wait3A_51] : memref<327680xi32, #tpu.memory_space<hbm>> -> memref<64xi32, #tpu.memory_space<hbm>>
    tpu.wait_dma2 semaphore(%arg15 : memref<!tpu.dma_semaphore, #tpu.memory_space<semaphore_mem>>) src(%dma_wait3A_52 : memref<64xi32, #tpu.memory_space<hbm>>) dst(%arg9 : memref<64xi32, #tpu.memory_space<vmem>>)
    %dma_wait3A_53 = arith.constant 0 : i32
    %dma_wait3A_54 = arith.constant 0 : i32
    %dma_wait3A_55 = tpu.memref_slice %arg3[%dma_wait3A_53, %dma_wait3A_54] : memref<327680x128xf32, #tpu.memory_space<hbm>> -> memref<64x128xf32, #tpu.memory_space<hbm>>
    %dma_wait3A_56 = arith.constant 0 : i32
    %dma_wait3A_57 = arith.constant 0 : i32
    %dma_wait3A_58 = tpu.memref_slice %arg3[%dma_wait3A_56, %dma_wait3A_57] : memref<327680x128xf32, #tpu.memory_space<hbm>> -> memref<64x128xf32, #tpu.memory_space<hbm>>
    tpu.wait_dma2 semaphore(%arg15 : memref<!tpu.dma_semaphore, #tpu.memory_space<semaphore_mem>>) src(%dma_wait3A_58 : memref<64x128xf32, #tpu.memory_space<hbm>>) dst(%arg11 : memref<64x128xf32, #tpu.memory_space<vmem>>)
    %dma_start3A_59 = arith.constant 0 : i32
    %dma_start3A_60 = arith.constant 0 : i32
    %dma_start3A_61 = tpu.memref_slice %arg2[%dma_start3A_59, %dma_start3A_60] : memref<10000x128xf32, #tpu.memory_space<hbm>> -> memref<10000x128xf32, #tpu.memory_space<hbm>>
    tpu.enqueue_indirect_dma source(%dma_start3A_61 : memref<10000x128xf32, #tpu.memory_space<hbm>>) target(%arg13 : memref<64x128xf32, #tpu.memory_space<vmem>>) offsets(%arg7 : memref<64xi32, #tpu.memory_space<vmem>>) semaphore(%arg17 : memref<!tpu.dma_semaphore, #tpu.memory_space<semaphore_mem>>)
    %scan3A = arith.constant 0 : i32
    %scan3A_62 = arith.constant 0 : i32
    %scan3A_63 = arith.constant 79 : i32
    %scan3A_64 = arith.addi %scan3A_62, %scan3A_63 : i32
    %scan3A_65 = arith.constant 1 : i32
    %scan3A_66 = scf.for %scan3A_86 = %scan3A_62 to %scan3A_64 step %scan3A_65 iter_args(%scan3A_87 = %scan3A) -> (i32)  : i32 {
      %mul3A_88 = arith.constant 2 : i32
      %mul3A_89 = arith.muli %mul3A_88, %scan3A_86 : i32
      %dma_wait3A_90 = arith.constant 0 : i32
      %dma_wait3A_91 = arith.constant 0 : i32
      %dma_wait3A_92 = tpu.memref_slice %arg2[%dma_wait3A_90, %dma_wait3A_91] : memref<10000x128xf32, #tpu.memory_space<hbm>> -> memref<10000x128xf32, #tpu.memory_space<hbm>>
      tpu.wait_indirect_dma semaphore(%arg17 : memref<!tpu.dma_semaphore, #tpu.memory_space<semaphore_mem>>) src(%dma_wait3A_92 : memref<10000x128xf32, #tpu.memory_space<hbm>>) dst(%arg13 : memref<64x128xf32, #tpu.memory_space<vmem>>)
      %dma_wait3A_93 = arith.constant 0 : i32
      %dma_wait3A_94 = tpu.memref_slice %arg5[%dma_wait3A_93] : memref<327680xi32, #tpu.memory_space<hbm>> -> memref<64xi32, #tpu.memory_space<hbm>>
      %dma_wait3A_95 = arith.constant 0 : i32
      %dma_wait3A_96 = tpu.memref_slice %arg5[%dma_wait3A_95] : memref<327680xi32, #tpu.memory_space<hbm>> -> memref<64xi32, #tpu.memory_space<hbm>>
      tpu.wait_dma2 semaphore(%arg16 : memref<!tpu.dma_semaphore, #tpu.memory_space<semaphore_mem>>) src(%dma_wait3A_96 : memref<64xi32, #tpu.memory_space<hbm>>) dst(%arg8 : memref<64xi32, #tpu.memory_space<vmem>>)
      %dma_wait3A_97 = arith.constant 0 : i32
      %dma_wait3A_98 = tpu.memref_slice %arg4[%dma_wait3A_97] : memref<327680xi32, #tpu.memory_space<hbm>> -> memref<64xi32, #tpu.memory_space<hbm>>
      %dma_wait3A_99 = arith.constant 0 : i32
      %dma_wait3A_100 = tpu.memref_slice %arg4[%dma_wait3A_99] : memref<327680xi32, #tpu.memory_space<hbm>> -> memref<64xi32, #tpu.memory_space<hbm>>
      tpu.wait_dma2 semaphore(%arg16 : memref<!tpu.dma_semaphore, #tpu.memory_space<semaphore_mem>>) src(%dma_wait3A_100 : memref<64xi32, #tpu.memory_space<hbm>>) dst(%arg10 : memref<64xi32, #tpu.memory_space<vmem>>)
      %dma_wait3A_101 = arith.constant 0 : i32
      %dma_wait3A_102 = arith.constant 0 : i32
      %dma_wait3A_103 = tpu.memref_slice %arg3[%dma_wait3A_101, %dma_wait3A_102] : memref<327680x128xf32, #tpu.memory_space<hbm>> -> memref<64x128xf32, #tpu.memory_space<hbm>>
      %dma_wait3A_104 = arith.constant 0 : i32
      %dma_wait3A_105 = arith.constant 0 : i32
      %dma_wait3A_106 = tpu.memref_slice %arg3[%dma_wait3A_104, %dma_wait3A_105] : memref<327680x128xf32, #tpu.memory_space<hbm>> -> memref<64x128xf32, #tpu.memory_space<hbm>>
      tpu.wait_dma2 semaphore(%arg16 : memref<!tpu.dma_semaphore, #tpu.memory_space<semaphore_mem>>) src(%dma_wait3A_106 : memref<64x128xf32, #tpu.memory_space<hbm>>) dst(%arg12 : memref<64x128xf32, #tpu.memory_space<vmem>>)
      %dma_start3A_107 = arith.constant 0 : i32
      %dma_start3A_108 = arith.constant 0 : i32
      %dma_start3A_109 = tpu.memref_slice %arg2[%dma_start3A_107, %dma_start3A_108] : memref<10000x128xf32, #tpu.memory_space<hbm>> -> memref<10000x128xf32, #tpu.memory_space<hbm>>
      tpu.enqueue_indirect_dma source(%dma_start3A_109 : memref<10000x128xf32, #tpu.memory_space<hbm>>) target(%arg14 : memref<64x128xf32, #tpu.memory_space<vmem>>) offsets(%arg8 : memref<64xi32, #tpu.memory_space<vmem>>) semaphore(%arg18 : memref<!tpu.dma_semaphore, #tpu.memory_space<semaphore_mem>>)
      %parallel_loop3A_110 = arith.constant 0 : i32
      %parallel_loop3A_111 = arith.constant 64 : i32
      %parallel_loop3A_112 = arith.constant 1 : i32
      scf.for %parallel_loop3A_175 = %parallel_loop3A_110 to %parallel_loop3A_111 step %parallel_loop3A_112  : i32 {
        %parallel_loop3A_176 = arith.index_cast %parallel_loop3A_175 : i32 to index
        %parallel_loop3A_177 = arith.constant 0 : index
        %parallel_loop3A_178 = tpu.vector_load %arg13[%parallel_loop3A_176, %parallel_loop3A_177] {strides = array<i32>} : memref<64x128xf32, #tpu.memory_space<vmem>>, vector<1x16xf32>,
        %parallel_loop3A_179 = vector.shape_cast %parallel_loop3A_178 : vector<1x16xf32> to vector<16xf32>
        %parallel_loop3A_180 = arith.index_cast %parallel_loop3A_175 : i32 to index
        %parallel_loop3A_181 = arith.constant 0 : index
        %parallel_loop3A_182 = tpu.vector_load %arg11[%parallel_loop3A_180, %parallel_loop3A_181] {strides = array<i32>} : memref<64x128xf32, #tpu.memory_space<vmem>>, vector<1x16xf32>,
        %parallel_loop3A_183 = vector.shape_cast %parallel_loop3A_182 : vector<1x16xf32> to vector<16xf32>
        %parallel_loop3A_184 = arith.mulf %parallel_loop3A_179, %parallel_loop3A_183 : vector<16xf32>
        %parallel_loop3A_185 = arith.index_cast %parallel_loop3A_175 : i32 to index
        %parallel_loop3A_186 = arith.constant 0 : index
        %parallel_loop3A_187 = tpu.vector_load %arg13[%parallel_loop3A_185, %parallel_loop3A_186] {strides = array<i32>} : memref<64x128xf32, #tpu.memory_space<vmem>>, vector<1x16xf32>,
        %parallel_loop3A_188 = vector.shape_cast %parallel_loop3A_187 : vector<1x16xf32> to vector<16xf32>
        %parallel_loop3A_189 = vector.shape_cast %parallel_loop3A_184 : vector<16xf32> to vector<1x16xf32>
        tpu.vector_store %arg13[%parallel_loop3A_185, %parallel_loop3A_186], %parallel_loop3A_189 {strides = array<i32>} : memref<64x128xf32, #tpu.memory_space<vmem>>, vector<1x16xf32>,
        %parallel_loop3A_190 = arith.index_cast %parallel_loop3A_175 : i32 to index
        %parallel_loop3A_191 = arith.constant 16 : index
        %parallel_loop3A_192 = tpu.vector_load %arg13[%parallel_loop3A_190, %parallel_loop3A_191] {strides = array<i32>} : memref<64x128xf32, #tpu.memory_space<vmem>>, vector<1x16xf32>,
        %parallel_loop3A_193 = vector.shape_cast %parallel_loop3A_192 : vector<1x16xf32> to vector<16xf32>
        %parallel_loop3A_194 = arith.index_cast %parallel_loop3A_175 : i32 to index
        %parallel_loop3A_195 = arith.constant 16 : index
        %parallel_loop3A_196 = tpu.vector_load %arg11[%parallel_loop3A_194, %parallel_loop3A_195] {strides = array<i32>} : memref<64x128xf32, #tpu.memory_space<vmem>>, vector<1x16xf32>,
        %parallel_loop3A_197 = vector.shape_cast %parallel_loop3A_196 : vector<1x16xf32> to vector<16xf32>
        %parallel_loop3A_198 = arith.mulf %parallel_loop3A_193, %parallel_loop3A_197 : vector<16xf32>
        %parallel_loop3A_199 = arith.index_cast %parallel_loop3A_175 : i32 to index
        %parallel_loop3A_200 = arith.constant 16 : index
        %parallel_loop3A_201 = tpu.vector_load %arg13[%parallel_loop3A_199, %parallel_loop3A_200] {strides = array<i32>} : memref<64x128xf32, #tpu.memory_space<vmem>>, vector<1x16xf32>,
        %parallel_loop3A_202 = vector.shape_cast %parallel_loop3A_201 : vector<1x16xf32> to vector<16xf32>
        %parallel_loop3A_203 = vector.shape_cast %parallel_loop3A_198 : vector<16xf32> to vector<1x16xf32>
        tpu.vector_store %arg13[%parallel_loop3A_199, %parallel_loop3A_200], %parallel_loop3A_203 {strides = array<i32>} : memref<64x128xf32, #tpu.memory_space<vmem>>, vector<1x16xf32>,
        %parallel_loop3A_204 = arith.index_cast %parallel_loop3A_175 : i32 to index
        %parallel_loop3A_205 = arith.constant 32 : index
        %parallel_loop3A_206 = tpu.vector_load %arg13[%parallel_loop3A_204, %parallel_loop3A_205] {strides = array<i32>} : memref<64x128xf32, #tpu.memory_space<vmem>>, vector<1x16xf32>,
        %parallel_loop3A_207 = vector.shape_cast %parallel_loop3A_206 : vector<1x16xf32> to vector<16xf32>
        %parallel_loop3A_208 = arith.index_cast %parallel_loop3A_175 : i32 to index
        %parallel_loop3A_209 = arith.constant 32 : index
        %parallel_loop3A_210 = tpu.vector_load %arg11[%parallel_loop3A_208, %parallel_loop3A_209] {strides = array<i32>} : memref<64x128xf32, #tpu.memory_space<vmem>>, vector<1x16xf32>,
        %parallel_loop3A_211 = vector.shape_cast %parallel_loop3A_210 : vector<1x16xf32> to vector<16xf32>
        %parallel_loop3A_212 = arith.mulf %parallel_loop3A_207, %parallel_loop3A_211 : vector<16xf32>
        %parallel_loop3A_213 = arith.index_cast %parallel_loop3A_175 : i32 to index
        %parallel_loop3A_214 = arith.constant 32 : index
        %parallel_loop3A_215 = tpu.vector_load %arg13[%parallel_loop3A_213, %parallel_loop3A_214] {strides = array<i32>} : memref<64x128xf32, #tpu.memory_space<vmem>>, vector<1x16xf32>,
        %parallel_loop3A_216 = vector.shape_cast %parallel_loop3A_215 : vector<1x16xf32> to vector<16xf32>
        %parallel_loop3A_217 = vector.shape_cast %parallel_loop3A_212 : vector<16xf32> to vector<1x16xf32>
        tpu.vector_store %arg13[%parallel_loop3A_213, %parallel_loop3A_214], %parallel_loop3A_217 {strides = array<i32>} : memref<64x128xf32, #tpu.memory_space<vmem>>, vector<1x16xf32>,
        %parallel_loop3A_218 = arith.index_cast %parallel_loop3A_175 : i32 to index
        %parallel_loop3A_219 = arith.constant 48 : index
        %parallel_loop3A_220 = tpu.vector_load %arg13[%parallel_loop3A_218, %parallel_loop3A_219] {strides = array<i32>} : memref<64x128xf32, #tpu.memory_space<vmem>>, vector<1x16xf32>,
        %parallel_loop3A_221 = vector.shape_cast %parallel_loop3A_220 : vector<1x16xf32> to vector<16xf32>
        %parallel_loop3A_222 = arith.index_cast %parallel_loop3A_175 : i32 to index
        %parallel_loop3A_223 = arith.constant 48 : index
        %parallel_loop3A_224 = tpu.vector_load %arg11[%parallel_loop3A_222, %parallel_loop3A_223] {strides = array<i32>} : memref<64x128xf32, #tpu.memory_space<vmem>>, vector<1x16xf32>,
        %parallel_loop3A_225 = vector.shape_cast %parallel_loop3A_224 : vector<1x16xf32> to vector<16xf32>
        %parallel_loop3A_226 = arith.mulf %parallel_loop3A_221, %parallel_loop3A_225 : vector<16xf32>
        %parallel_loop3A_227 = arith.index_cast %parallel_loop3A_175 : i32 to index
        %parallel_loop3A_228 = arith.constant 48 : index
        %parallel_loop3A_229 = tpu.vector_load %arg13[%parallel_loop3A_227, %parallel_loop3A_228] {strides = array<i32>} : memref<64x128xf32, #tpu.memory_space<vmem>>, vector<1x16xf32>,
        %parallel_loop3A_230 = vector.shape_cast %parallel_loop3A_229 : vector<1x16xf32> to vector<16xf32>
        %parallel_loop3A_231 = vector.shape_cast %parallel_loop3A_226 : vector<16xf32> to vector<1x16xf32>
        tpu.vector_store %arg13[%parallel_loop3A_227, %parallel_loop3A_228], %parallel_loop3A_231 {strides = array<i32>} : memref<64x128xf32, #tpu.memory_space<vmem>>, vector<1x16xf32>,
        %parallel_loop3A_232 = arith.index_cast %parallel_loop3A_175 : i32 to index
        %parallel_loop3A_233 = arith.constant 64 : index
        %parallel_loop3A_234 = tpu.vector_load %arg13[%parallel_loop3A_232, %parallel_loop3A_233] {strides = array<i32>} : memref<64x128xf32, #tpu.memory_space<vmem>>, vector<1x16xf32>,
        %parallel_loop3A_235 = vector.shape_cast %parallel_loop3A_234 : vector<1x16xf32> to vector<16xf32>
        %parallel_loop3A_236 = arith.index_cast %parallel_loop3A_175 : i32 to index
        %parallel_loop3A_237 = arith.constant 64 : index
        %parallel_loop3A_238 = tpu.vector_load %arg11[%parallel_loop3A_236, %parallel_loop3A_237] {strides = array<i32>} : memref<64x128xf32, #tpu.memory_space<vmem>>, vector<1x16xf32>,
        %parallel_loop3A_239 = vector.shape_cast %parallel_loop3A_238 : vector<1x16xf32> to vector<16xf32>
        %parallel_loop3A_240 = arith.mulf %parallel_loop3A_235, %parallel_loop3A_239 : vector<16xf32>
        %parallel_loop3A_241 = arith.index_cast %parallel_loop3A_175 : i32 to index
        %parallel_loop3A_242 = arith.constant 64 : index
        %parallel_loop3A_243 = tpu.vector_load %arg13[%parallel_loop3A_241, %parallel_loop3A_242] {strides = array<i32>} : memref<64x128xf32, #tpu.memory_space<vmem>>, vector<1x16xf32>,
        %parallel_loop3A_244 = vector.shape_cast %parallel_loop3A_243 : vector<1x16xf32> to vector<16xf32>
        %parallel_loop3A_245 = vector.shape_cast %parallel_loop3A_240 : vector<16xf32> to vector<1x16xf32>
        tpu.vector_store %arg13[%parallel_loop3A_241, %parallel_loop3A_242], %parallel_loop3A_245 {strides = array<i32>} : memref<64x128xf32, #tpu.memory_space<vmem>>, vector<1x16xf32>,
        %parallel_loop3A_246 = arith.index_cast %parallel_loop3A_175 : i32 to index
        %parallel_loop3A_247 = arith.constant 80 : index
        %parallel_loop3A_248 = tpu.vector_load %arg13[%parallel_loop3A_246, %parallel_loop3A_247] {strides = array<i32>} : memref<64x128xf32, #tpu.memory_space<vmem>>, vector<1x16xf32>,
        %parallel_loop3A_249 = vector.shape_cast %parallel_loop3A_248 : vector<1x16xf32> to vector<16xf32>
        %parallel_loop3A_250 = arith.index_cast %parallel_loop3A_175 : i32 to index
        %parallel_loop3A_251 = arith.constant 80 : index
        %parallel_loop3A_252 = tpu.vector_load %arg11[%parallel_loop3A_250, %parallel_loop3A_251] {strides = array<i32>} : memref<64x128xf32, #tpu.memory_space<vmem>>, vector<1x16xf32>,
        %parallel_loop3A_253 = vector.shape_cast %parallel_loop3A_252 : vector<1x16xf32> to vector<16xf32>
        %parallel_loop3A_254 = arith.mulf %parallel_loop3A_249, %parallel_loop3A_253 : vector<16xf32>
        %parallel_loop3A_255 = arith.index_cast %parallel_loop3A_175 : i32 to index
        %parallel_loop3A_256 = arith.constant 80 : index
        %parallel_loop3A_257 = tpu.vector_load %arg13[%parallel_loop3A_255, %parallel_loop3A_256] {strides = array<i32>} : memref<64x128xf32, #tpu.memory_space<vmem>>, vector<1x16xf32>,
        %parallel_loop3A_258 = vector.shape_cast %parallel_loop3A_257 : vector<1x16xf32> to vector<16xf32>
        %parallel_loop3A_259 = vector.shape_cast %parallel_loop3A_254 : vector<16xf32> to vector<1x16xf32>
        tpu.vector_store %arg13[%parallel_loop3A_255, %parallel_loop3A_256], %parallel_loop3A_259 {strides = array<i32>} : memref<64x128xf32, #tpu.memory_space<vmem>>, vector<1x16xf32>,
        %parallel_loop3A_260 = arith.index_cast %parallel_loop3A_175 : i32 to index
        %parallel_loop3A_261 = arith.constant 96 : index
        %parallel_loop3A_262 = tpu.vector_load %arg13[%parallel_loop3A_260, %parallel_loop3A_261] {strides = array<i32>} : memref<64x128xf32, #tpu.memory_space<vmem>>, vector<1x16xf32>,
        %parallel_loop3A_263 = vector.shape_cast %parallel_loop3A_262 : vector<1x16xf32> to vector<16xf32>
        %parallel_loop3A_264 = arith.index_cast %parallel_loop3A_175 : i32 to index
        %parallel_loop3A_265 = arith.constant 96 : index
        %parallel_loop3A_266 = tpu.vector_load %arg11[%parallel_loop3A_264, %parallel_loop3A_265] {strides = array<i32>} : memref<64x128xf32, #tpu.memory_space<vmem>>, vector<1x16xf32>,
        %parallel_loop3A_267 = vector.shape_cast %parallel_loop3A_266 : vector<1x16xf32> to vector<16xf32>
        %parallel_loop3A_268 = arith.mulf %parallel_loop3A_263, %parallel_loop3A_267 : vector<16xf32>
        %parallel_loop3A_269 = arith.index_cast %parallel_loop3A_175 : i32 to index
        %parallel_loop3A_270 = arith.constant 96 : index
        %parallel_loop3A_271 = tpu.vector_load %arg13[%parallel_loop3A_269, %parallel_loop3A_270] {strides = array<i32>} : memref<64x128xf32, #tpu.memory_space<vmem>>, vector<1x16xf32>,
        %parallel_loop3A_272 = vector.shape_cast %parallel_loop3A_271 : vector<1x16xf32> to vector<16xf32>
        %parallel_loop3A_273 = vector.shape_cast %parallel_loop3A_268 : vector<16xf32> to vector<1x16xf32>
        tpu.vector_store %arg13[%parallel_loop3A_269, %parallel_loop3A_270], %parallel_loop3A_273 {strides = array<i32>} : memref<64x128xf32, #tpu.memory_space<vmem>>, vector<1x16xf32>,
        %parallel_loop3A_274 = arith.index_cast %parallel_loop3A_175 : i32 to index
        %parallel_loop3A_275 = arith.constant 112 : index
        %parallel_loop3A_276 = tpu.vector_load %arg13[%parallel_loop3A_274, %parallel_loop3A_275] {strides = array<i32>} : memref<64x128xf32, #tpu.memory_space<vmem>>, vector<1x16xf32>,
        %parallel_loop3A_277 = vector.shape_cast %parallel_loop3A_276 : vector<1x16xf32> to vector<16xf32>
        %parallel_loop3A_278 = arith.index_cast %parallel_loop3A_175 : i32 to index
        %parallel_loop3A_279 = arith.constant 112 : index
        %parallel_loop3A_280 = tpu.vector_load %arg11[%parallel_loop3A_278, %parallel_loop3A_279] {strides = array<i32>} : memref<64x128xf32, #tpu.memory_space<vmem>>, vector<1x16xf32>,
        %parallel_loop3A_281 = vector.shape_cast %parallel_loop3A_280 : vector<1x16xf32> to vector<16xf32>
        %parallel_loop3A_282 = arith.mulf %parallel_loop3A_277, %parallel_loop3A_281 : vector<16xf32>
        %parallel_loop3A_283 = arith.index_cast %parallel_loop3A_175 : i32 to index
        %parallel_loop3A_284 = arith.constant 112 : index
        %parallel_loop3A_285 = tpu.vector_load %arg13[%parallel_loop3A_283, %parallel_loop3A_284] {strides = array<i32>} : memref<64x128xf32, #tpu.memory_space<vmem>>, vector<1x16xf32>,
        %parallel_loop3A_286 = vector.shape_cast %parallel_loop3A_285 : vector<1x16xf32> to vector<16xf32>
        %parallel_loop3A_287 = vector.shape_cast %parallel_loop3A_282 : vector<16xf32> to vector<1x16xf32>
        tpu.vector_store %arg13[%parallel_loop3A_283, %parallel_loop3A_284], %parallel_loop3A_287 {strides = array<i32>} : memref<64x128xf32, #tpu.memory_space<vmem>>, vector<1x16xf32>,
      } {sc.loop_unroll_factor = 4 : i64, sc.parallel_access}
      %dma_start3A_113 = arith.constant 0 : i32
      %dma_start3A_114 = arith.constant 0 : i32
      %dma_start3A_115 = tpu.memref_slice %arg21[%dma_start3A_113, %dma_start3A_114] : memref<10240x128xf32, #tpu.memory_space<vmem_shared>> -> memref<10240x128xf32, #tpu.memory_space<vmem_shared>>
      tpu.enqueue_indirect_dma source(%arg13 : memref<64x128xf32, #tpu.memory_space<vmem>>) target(%dma_start3A_115 : memref<10240x128xf32, #tpu.memory_space<vmem_shared>>) offsets(%arg9 : memref<64xi32, #tpu.memory_space<vmem>>) semaphore(%arg19 : memref<!tpu.dma_semaphore, #tpu.memory_space<semaphore_mem>>) {add = true}
      %dma_wait3A_116 = arith.constant 0 : i32
      %dma_wait3A_117 = arith.constant 0 : i32
      %dma_wait3A_118 = tpu.memref_slice %arg2[%dma_wait3A_116, %dma_wait3A_117] : memref<10000x128xf32, #tpu.memory_space<hbm>> -> memref<10000x128xf32, #tpu.memory_space<hbm>>
      tpu.wait_indirect_dma semaphore(%arg18 : memref<!tpu.dma_semaphore, #tpu.memory_space<semaphore_mem>>) src(%dma_wait3A_118 : memref<10000x128xf32, #tpu.memory_space<hbm>>) dst(%arg14 : memref<64x128xf32, #tpu.memory_space<vmem>>)
      %parallel_loop3A_119 = arith.constant 0 : i32
      %parallel_loop3A_120 = arith.constant 64 : i32
      %parallel_loop3A_121 = arith.constant 1 : i32
      scf.for %parallel_loop3A_175 = %parallel_loop3A_119 to %parallel_loop3A_120 step %parallel_loop3A_121  : i32 {
        %parallel_loop3A_176 = arith.index_cast %parallel_loop3A_175 : i32 to index
        %parallel_loop3A_177 = arith.constant 0 : index
        %parallel_loop3A_178 = tpu.vector_load %arg14[%parallel_loop3A_176, %parallel_loop3A_177] {strides = array<i32>} : memref<64x128xf32, #tpu.memory_space<vmem>>, vector<1x16xf32>,
        %parallel_loop3A_179 = vector.shape_cast %parallel_loop3A_178 : vector<1x16xf32> to vector<16xf32>
        %parallel_loop3A_180 = arith.index_cast %parallel_loop3A_175 : i32 to index
        %parallel_loop3A_181 = arith.constant 0 : index
        %parallel_loop3A_182 = tpu.vector_load %arg12[%parallel_loop3A_180, %parallel_loop3A_181] {strides = array<i32>} : memref<64x128xf32, #tpu.memory_space<vmem>>, vector<1x16xf32>,
        %parallel_loop3A_183 = vector.shape_cast %parallel_loop3A_182 : vector<1x16xf32> to vector<16xf32>
        %parallel_loop3A_184 = arith.mulf %parallel_loop3A_179, %parallel_loop3A_183 : vector<16xf32>
        %parallel_loop3A_185 = arith.index_cast %parallel_loop3A_175 : i32 to index
        %parallel_loop3A_186 = arith.constant 0 : index
        %parallel_loop3A_187 = tpu.vector_load %arg14[%parallel_loop3A_185, %parallel_loop3A_186] {strides = array<i32>} : memref<64x128xf32, #tpu.memory_space<vmem>>, vector<1x16xf32>,
        %parallel_loop3A_188 = vector.shape_cast %parallel_loop3A_187 : vector<1x16xf32> to vector<16xf32>
        %parallel_loop3A_189 = vector.shape_cast %parallel_loop3A_184 : vector<16xf32> to vector<1x16xf32>
        tpu.vector_store %arg14[%parallel_loop3A_185, %parallel_loop3A_186], %parallel_loop3A_189 {strides = array<i32>} : memref<64x128xf32, #tpu.memory_space<vmem>>, vector<1x16xf32>,
        %parallel_loop3A_190 = arith.index_cast %parallel_loop3A_175 : i32 to index
        %parallel_loop3A_191 = arith.constant 16 : index
        %parallel_loop3A_192 = tpu.vector_load %arg14[%parallel_loop3A_190, %parallel_loop3A_191] {strides = array<i32>} : memref<64x128xf32, #tpu.memory_space<vmem>>, vector<1x16xf32>,
        %parallel_loop3A_193 = vector.shape_cast %parallel_loop3A_192 : vector<1x16xf32> to vector<16xf32>
        %parallel_loop3A_194 = arith.index_cast %parallel_loop3A_175 : i32 to index
        %parallel_loop3A_195 = arith.constant 16 : index
        %parallel_loop3A_196 = tpu.vector_load %arg12[%parallel_loop3A_194, %parallel_loop3A_195] {strides = array<i32>} : memref<64x128xf32, #tpu.memory_space<vmem>>, vector<1x16xf32>,
        %parallel_loop3A_197 = vector.shape_cast %parallel_loop3A_196 : vector<1x16xf32> to vector<16xf32>
        %parallel_loop3A_198 = arith.mulf %parallel_loop3A_193, %parallel_loop3A_197 : vector<16xf32>
        %parallel_loop3A_199 = arith.index_cast %parallel_loop3A_175 : i32 to index
        %parallel_loop3A_200 = arith.constant 16 : index
        %parallel_loop3A_201 = tpu.vector_load %arg14[%parallel_loop3A_199, %parallel_loop3A_200] {strides = array<i32>} : memref<64x128xf32, #tpu.memory_space<vmem>>, vector<1x16xf32>,
        %parallel_loop3A_202 = vector.shape_cast %parallel_loop3A_201 : vector<1x16xf32> to vector<16xf32>
        %parallel_loop3A_203 = vector.shape_cast %parallel_loop3A_198 : vector<16xf32> to vector<1x16xf32>
        tpu.vector_store %arg14[%parallel_loop3A_199, %parallel_loop3A_200], %parallel_loop3A_203 {strides = array<i32>} : memref<64x128xf32, #tpu.memory_space<vmem>>, vector<1x16xf32>,
        %parallel_loop3A_204 = arith.index_cast %parallel_loop3A_175 : i32 to index
        %parallel_loop3A_205 = arith.constant 32 : index
        %parallel_loop3A_206 = tpu.vector_load %arg14[%parallel_loop3A_204, %parallel_loop3A_205] {strides = array<i32>} : memref<64x128xf32, #tpu.memory_space<vmem>>, vector<1x16xf32>,
        %parallel_loop3A_207 = vector.shape_cast %parallel_loop3A_206 : vector<1x16xf32> to vector<16xf32>
        %parallel_loop3A_208 = arith.index_cast %parallel_loop3A_175 : i32 to index
        %parallel_loop3A_209 = arith.constant 32 : index
        %parallel_loop3A_210 = tpu.vector_load %arg12[%parallel_loop3A_208, %parallel_loop3A_209] {strides = array<i32>} : memref<64x128xf32, #tpu.memory_space<vmem>>, vector<1x16xf32>,
        %parallel_loop3A_211 = vector.shape_cast %parallel_loop3A_210 : vector<1x16xf32> to vector<16xf32>
        %parallel_loop3A_212 = arith.mulf %parallel_loop3A_207, %parallel_loop3A_211 : vector<16xf32>
        %parallel_loop3A_213 = arith.index_cast %parallel_loop3A_175 : i32 to index
        %parallel_loop3A_214 = arith.constant 32 : index
        %parallel_loop3A_215 = tpu.vector_load %arg14[%parallel_loop3A_213, %parallel_loop3A_214] {strides = array<i32>} : memref<64x128xf32, #tpu.memory_space<vmem>>, vector<1x16xf32>,
        %parallel_loop3A_216 = vector.shape_cast %parallel_loop3A_215 : vector<1x16xf32> to vector<16xf32>
        %parallel_loop3A_217 = vector.shape_cast %parallel_loop3A_212 : vector<16xf32> to vector<1x16xf32>
        tpu.vector_store %arg14[%parallel_loop3A_213, %parallel_loop3A_214], %parallel_loop3A_217 {strides = array<i32>} : memref<64x128xf32, #tpu.memory_space<vmem>>, vector<1x16xf32>,
        %parallel_loop3A_218 = arith.index_cast %parallel_loop3A_175 : i32 to index
        %parallel_loop3A_219 = arith.constant 48 : index
        %parallel_loop3A_220 = tpu.vector_load %arg14[%parallel_loop3A_218, %parallel_loop3A_219] {strides = array<i32>} : memref<64x128xf32, #tpu.memory_space<vmem>>, vector<1x16xf32>,
        %parallel_loop3A_221 = vector.shape_cast %parallel_loop3A_220 : vector<1x16xf32> to vector<16xf32>
        %parallel_loop3A_222 = arith.index_cast %parallel_loop3A_175 : i32 to index
        %parallel_loop3A_223 = arith.constant 48 : index
        %parallel_loop3A_224 = tpu.vector_load %arg12[%parallel_loop3A_222, %parallel_loop3A_223] {strides = array<i32>} : memref<64x128xf32, #tpu.memory_space<vmem>>, vector<1x16xf32>,
        %parallel_loop3A_225 = vector.shape_cast %parallel_loop3A_224 : vector<1x16xf32> to vector<16xf32>
        %parallel_loop3A_226 = arith.mulf %parallel_loop3A_221, %parallel_loop3A_225 : vector<16xf32>
        %parallel_loop3A_227 = arith.index_cast %parallel_loop3A_175 : i32 to index
        %parallel_loop3A_228 = arith.constant 48 : index
        %parallel_loop3A_229 = tpu.vector_load %arg14[%parallel_loop3A_227, %parallel_loop3A_228] {strides = array<i32>} : memref<64x128xf32, #tpu.memory_space<vmem>>, vector<1x16xf32>,
        %parallel_loop3A_230 = vector.shape_cast %parallel_loop3A_229 : vector<1x16xf32> to vector<16xf32>
        %parallel_loop3A_231 = vector.shape_cast %parallel_loop3A_226 : vector<16xf32> to vector<1x16xf32>
        tpu.vector_store %arg14[%parallel_loop3A_227, %parallel_loop3A_228], %parallel_loop3A_231 {strides = array<i32>} : memref<64x128xf32, #tpu.memory_space<vmem>>, vector<1x16xf32>,
        %parallel_loop3A_232 = arith.index_cast %parallel_loop3A_175 : i32 to index
        %parallel_loop3A_233 = arith.constant 64 : index
        %parallel_loop3A_234 = tpu.vector_load %arg14[%parallel_loop3A_232, %parallel_loop3A_233] {strides = array<i32>} : memref<64x128xf32, #tpu.memory_space<vmem>>, vector<1x16xf32>,
        %parallel_loop3A_235 = vector.shape_cast %parallel_loop3A_234 : vector<1x16xf32> to vector<16xf32>
        %parallel_loop3A_236 = arith.index_cast %parallel_loop3A_175 : i32 to index
        %parallel_loop3A_237 = arith.constant 64 : index
        %parallel_loop3A_238 = tpu.vector_load %arg12[%parallel_loop3A_236, %parallel_loop3A_237] {strides = array<i32>} : memref<64x128xf32, #tpu.memory_space<vmem>>, vector<1x16xf32>,
        %parallel_loop3A_239 = vector.shape_cast %parallel_loop3A_238 : vector<1x16xf32> to vector<16xf32>
        %parallel_loop3A_240 = arith.mulf %parallel_loop3A_235, %parallel_loop3A_239 : vector<16xf32>
        %parallel_loop3A_241 = arith.index_cast %parallel_loop3A_175 : i32 to index
        %parallel_loop3A_242 = arith.constant 64 : index
        %parallel_loop3A_243 = tpu.vector_load %arg14[%parallel_loop3A_241, %parallel_loop3A_242] {strides = array<i32>} : memref<64x128xf32, #tpu.memory_space<vmem>>, vector<1x16xf32>,
        %parallel_loop3A_244 = vector.shape_cast %parallel_loop3A_243 : vector<1x16xf32> to vector<16xf32>
        %parallel_loop3A_245 = vector.shape_cast %parallel_loop3A_240 : vector<16xf32> to vector<1x16xf32>
        tpu.vector_store %arg14[%parallel_loop3A_241, %parallel_loop3A_242], %parallel_loop3A_245 {strides = array<i32>} : memref<64x128xf32, #tpu.memory_space<vmem>>, vector<1x16xf32>,
        %parallel_loop3A_246 = arith.index_cast %parallel_loop3A_175 : i32 to index
        %parallel_loop3A_247 = arith.constant 80 : index
        %parallel_loop3A_248 = tpu.vector_load %arg14[%parallel_loop3A_246, %parallel_loop3A_247] {strides = array<i32>} : memref<64x128xf32, #tpu.memory_space<vmem>>, vector<1x16xf32>,
        %parallel_loop3A_249 = vector.shape_cast %parallel_loop3A_248 : vector<1x16xf32> to vector<16xf32>
        %parallel_loop3A_250 = arith.index_cast %parallel_loop3A_175 : i32 to index
        %parallel_loop3A_251 = arith.constant 80 : index
        %parallel_loop3A_252 = tpu.vector_load %arg12[%parallel_loop3A_250, %parallel_loop3A_251] {strides = array<i32>} : memref<64x128xf32, #tpu.memory_space<vmem>>, vector<1x16xf32>,
        %parallel_loop3A_253 = vector.shape_cast %parallel_loop3A_252 : vector<1x16xf32> to vector<16xf32>
        %parallel_loop3A_254 = arith.mulf %parallel_loop3A_249, %parallel_loop3A_253 : vector<16xf32>
        %parallel_loop3A_255 = arith.index_cast %parallel_loop3A_175 : i32 to index
        %parallel_loop3A_256 = arith.constant 80 : index
        %parallel_loop3A_257 = tpu.vector_load %arg14[%parallel_loop3A_255, %parallel_loop3A_256] {strides = array<i32>} : memref<64x128xf32, #tpu.memory_space<vmem>>, vector<1x16xf32>,
        %parallel_loop3A_258 = vector.shape_cast %parallel_loop3A_257 : vector<1x16xf32> to vector<16xf32>
        %parallel_loop3A_259 = vector.shape_cast %parallel_loop3A_254 : vector<16xf32> to vector<1x16xf32>
        tpu.vector_store %arg14[%parallel_loop3A_255, %parallel_loop3A_256], %parallel_loop3A_259 {strides = array<i32>} : memref<64x128xf32, #tpu.memory_space<vmem>>, vector<1x16xf32>,
        %parallel_loop3A_260 = arith.index_cast %parallel_loop3A_175 : i32 to index
        %parallel_loop3A_261 = arith.constant 96 : index
        %parallel_loop3A_262 = tpu.vector_load %arg14[%parallel_loop3A_260, %parallel_loop3A_261] {strides = array<i32>} : memref<64x128xf32, #tpu.memory_space<vmem>>, vector<1x16xf32>,
        %parallel_loop3A_263 = vector.shape_cast %parallel_loop3A_262 : vector<1x16xf32> to vector<16xf32>
        %parallel_loop3A_264 = arith.index_cast %parallel_loop3A_175 : i32 to index
        %parallel_loop3A_265 = arith.constant 96 : index
        %parallel_loop3A_266 = tpu.vector_load %arg12[%parallel_loop3A_264, %parallel_loop3A_265] {strides = array<i32>} : memref<64x128xf32, #tpu.memory_space<vmem>>, vector<1x16xf32>,
        %parallel_loop3A_267 = vector.shape_cast %parallel_loop3A_266 : vector<1x16xf32> to vector<16xf32>
        %parallel_loop3A_268 = arith.mulf %parallel_loop3A_263, %parallel_loop3A_267 : vector<16xf32>
        %parallel_loop3A_269 = arith.index_cast %parallel_loop3A_175 : i32 to index
        %parallel_loop3A_270 = arith.constant 96 : index
        %parallel_loop3A_271 = tpu.vector_load %arg14[%parallel_loop3A_269, %parallel_loop3A_270] {strides = array<i32>} : memref<64x128xf32, #tpu.memory_space<vmem>>, vector<1x16xf32>,
        %parallel_loop3A_272 = vector.shape_cast %parallel_loop3A_271 : vector<1x16xf32> to vector<16xf32>
        %parallel_loop3A_273 = vector.shape_cast %parallel_loop3A_268 : vector<16xf32> to vector<1x16xf32>
        tpu.vector_store %arg14[%parallel_loop3A_269, %parallel_loop3A_270], %parallel_loop3A_273 {strides = array<i32>} : memref<64x128xf32, #tpu.memory_space<vmem>>, vector<1x16xf32>,
        %parallel_loop3A_274 = arith.index_cast %parallel_loop3A_175 : i32 to index
        %parallel_loop3A_275 = arith.constant 112 : index
        %parallel_loop3A_276 = tpu.vector_load %arg14[%parallel_loop3A_274, %parallel_loop3A_275] {strides = array<i32>} : memref<64x128xf32, #tpu.memory_space<vmem>>, vector<1x16xf32>,
        %parallel_loop3A_277 = vector.shape_cast %parallel_loop3A_276 : vector<1x16xf32> to vector<16xf32>
        %parallel_loop3A_278 = arith.index_cast %parallel_loop3A_175 : i32 to index
        %parallel_loop3A_279 = arith.constant 112 : index
        %parallel_loop3A_280 = tpu.vector_load %arg12[%parallel_loop3A_278, %parallel_loop3A_279] {strides = array<i32>} : memref<64x128xf32, #tpu.memory_space<vmem>>, vector<1x16xf32>,
        %parallel_loop3A_281 = vector.shape_cast %parallel_loop3A_280 : vector<1x16xf32> to vector<16xf32>
        %parallel_loop3A_282 = arith.mulf %parallel_loop3A_277, %parallel_loop3A_281 : vector<16xf32>
        %parallel_loop3A_283 = arith.index_cast %parallel_loop3A_175 : i32 to index
        %parallel_loop3A_284 = arith.constant 112 : index
        %parallel_loop3A_285 = tpu.vector_load %arg14[%parallel_loop3A_283, %parallel_loop3A_284] {strides = array<i32>} : memref<64x128xf32, #tpu.memory_space<vmem>>, vector<1x16xf32>,
        %parallel_loop3A_286 = vector.shape_cast %parallel_loop3A_285 : vector<1x16xf32> to vector<16xf32>
        %parallel_loop3A_287 = vector.shape_cast %parallel_loop3A_282 : vector<16xf32> to vector<1x16xf32>
        tpu.vector_store %arg14[%parallel_loop3A_283, %parallel_loop3A_284], %parallel_loop3A_287 {strides = array<i32>} : memref<64x128xf32, #tpu.memory_space<vmem>>, vector<1x16xf32>,
      } {sc.loop_unroll_factor = 4 : i64, sc.parallel_access}
      %dma_wait3A_122 = arith.constant 0 : i32
      %dma_wait3A_123 = arith.constant 0 : i32
      %dma_wait3A_124 = tpu.memref_slice %arg21[%dma_wait3A_122, %dma_wait3A_123] : memref<10240x128xf32, #tpu.memory_space<vmem_shared>> -> memref<10240x128xf32, #tpu.memory_space<vmem_shared>>
      tpu.wait_indirect_dma semaphore(%arg19 : memref<!tpu.dma_semaphore, #tpu.memory_space<semaphore_mem>>) src(%arg13 : memref<64x128xf32, #tpu.memory_space<vmem>>) dst(%dma_wait3A_124 : memref<10240x128xf32, #tpu.memory_space<vmem_shared>>)
      %add3A_125 = arith.constant 2 : i32
      %add3A_126 = arith.addi %mul3A_89, %add3A_125 : i32
      %mul3A_127 = arith.constant 64 : i32
      %mul3A_128 = arith.muli %add3A_126, %mul3A_127 : i32
      %add3A_129 = arith.addi %mul3A_26, %mul3A_128 : i32
      %dma_start3A_130 = tpu.memref_slice %arg5[%add3A_129] : memref<327680xi32, #tpu.memory_space<hbm>> -> memref<64xi32, #tpu.memory_space<hbm>>
      %dma_start3A_131 = tpu.memref_slice %arg5[%add3A_129] : memref<327680xi32, #tpu.memory_space<hbm>> -> memref<64xi32, #tpu.memory_space<hbm>>
      tpu.enqueue_dma source(%dma_start3A_131 : memref<64xi32, #tpu.memory_space<hbm>>) target(%arg7 : memref<64xi32, #tpu.memory_space<vmem>>) target_semaphore(%arg15 : memref<!tpu.dma_semaphore, #tpu.memory_space<semaphore_mem>>)
      %dma_start3A_132 = tpu.memref_slice %arg4[%add3A_129] : memref<327680xi32, #tpu.memory_space<hbm>> -> memref<64xi32, #tpu.memory_space<hbm>>
      %dma_start3A_133 = tpu.memref_slice %arg4[%add3A_129] : memref<327680xi32, #tpu.memory_space<hbm>> -> memref<64xi32, #tpu.memory_space<hbm>>
      tpu.enqueue_dma source(%dma_start3A_133 : memref<64xi32, #tpu.memory_space<hbm>>) target(%arg9 : memref<64xi32, #tpu.memory_space<vmem>>) target_semaphore(%arg15 : memref<!tpu.dma_semaphore, #tpu.memory_space<semaphore_mem>>)
      %dma_start3A_134 = arith.constant 0 : i32
      %dma_start3A_135 = tpu.memref_slice %arg3[%add3A_129, %dma_start3A_134] : memref<327680x128xf32, #tpu.memory_space<hbm>> -> memref<64x128xf32, #tpu.memory_space<hbm>>
      %dma_start3A_136 = arith.constant 0 : i32
      %dma_start3A_137 = tpu.memref_slice %arg3[%add3A_129, %dma_start3A_136] : memref<327680x128xf32, #tpu.memory_space<hbm>> -> memref<64x128xf32, #tpu.memory_space<hbm>>
      tpu.enqueue_dma source(%dma_start3A_137 : memref<64x128xf32, #tpu.memory_space<hbm>>) target(%arg11 : memref<64x128xf32, #tpu.memory_space<vmem>>) target_semaphore(%arg15 : memref<!tpu.dma_semaphore, #tpu.memory_space<semaphore_mem>>)
      %dma_start3A_138 = arith.constant 0 : i32
      %dma_start3A_139 = arith.constant 0 : i32
      %dma_start3A_140 = tpu.memref_slice %arg21[%dma_start3A_138, %dma_start3A_139] : memref<10240x128xf32, #tpu.memory_space<vmem_shared>> -> memref<10240x128xf32, #tpu.memory_space<vmem_shared>>
      tpu.enqueue_indirect_dma source(%arg14 : memref<64x128xf32, #tpu.memory_space<vmem>>) target(%dma_start3A_140 : memref<10240x128xf32, #tpu.memory_space<vmem_shared>>) offsets(%arg10 : memref<64xi32, #tpu.memory_space<vmem>>) semaphore(%arg20 : memref<!tpu.dma_semaphore, #tpu.memory_space<semaphore_mem>>) {add = true}
      %dma_wait3A_141 = arith.constant 0 : i32
      %dma_wait3A_142 = tpu.memref_slice %arg5[%dma_wait3A_141] : memref<327680xi32, #tpu.memory_space<hbm>> -> memref<64xi32, #tpu.memory_space<hbm>>
      %dma_wait3A_143 = arith.constant 0 : i32
      %dma_wait3A_144 = tpu.memref_slice %arg5[%dma_wait3A_143] : memref<327680xi32, #tpu.memory_space<hbm>> -> memref<64xi32, #tpu.memory_space<hbm>>
      tpu.wait_dma2 semaphore(%arg15 : memref<!tpu.dma_semaphore, #tpu.memory_space<semaphore_mem>>) src(%dma_wait3A_144 : memref<64xi32, #tpu.memory_space<hbm>>) dst(%arg7 : memref<64xi32, #tpu.memory_space<vmem>>)
      %dma_wait3A_145 = arith.constant 0 : i32
      %dma_wait3A_146 = tpu.memref_slice %arg4[%dma_wait3A_145] : memref<327680xi32, #tpu.memory_space<hbm>> -> memref<64xi32, #tpu.memory_space<hbm>>
      %dma_wait3A_147 = arith.constant 0 : i32
      %dma_wait3A_148 = tpu.memref_slice %arg4[%dma_wait3A_147] : memref<327680xi32, #tpu.memory_space<hbm>> -> memref<64xi32, #tpu.memory_space<hbm>>
      tpu.wait_dma2 semaphore(%arg15 : memref<!tpu.dma_semaphore, #tpu.memory_space<semaphore_mem>>) src(%dma_wait3A_148 : memref<64xi32, #tpu.memory_space<hbm>>) dst(%arg9 : memref<64xi32, #tpu.memory_space<vmem>>)
      %dma_wait3A_149 = arith.constant 0 : i32
      %dma_wait3A_150 = arith.constant 0 : i32
      %dma_wait3A_151 = tpu.memref_slice %arg3[%dma_wait3A_149, %dma_wait3A_150] : memref<327680x128xf32, #tpu.memory_space<hbm>> -> memref<64x128xf32, #tpu.memory_space<hbm>>
      %dma_wait3A_152 = arith.constant 0 : i32
      %dma_wait3A_153 = arith.constant 0 : i32
      %dma_wait3A_154 = tpu.memref_slice %arg3[%dma_wait3A_152, %dma_wait3A_153] : memref<327680x128xf32, #tpu.memory_space<hbm>> -> memref<64x128xf32, #tpu.memory_space<hbm>>
      tpu.wait_dma2 semaphore(%arg15 : memref<!tpu.dma_semaphore, #tpu.memory_space<semaphore_mem>>) src(%dma_wait3A_154 : memref<64x128xf32, #tpu.memory_space<hbm>>) dst(%arg11 : memref<64x128xf32, #tpu.memory_space<vmem>>)
      %dma_start3A_155 = arith.constant 0 : i32
      %dma_start3A_156 = arith.constant 0 : i32
      %dma_start3A_157 = tpu.memref_slice %arg2[%dma_start3A_155, %dma_start3A_156] : memref<10000x128xf32, #tpu.memory_space<hbm>> -> memref<10000x128xf32, #tpu.memory_space<hbm>>
      tpu.enqueue_indirect_dma source(%dma_start3A_157 : memref<10000x128xf32, #tpu.memory_space<hbm>>) target(%arg13 : memref<64x128xf32, #tpu.memory_space<vmem>>) offsets(%arg7 : memref<64xi32, #tpu.memory_space<vmem>>) semaphore(%arg17 : memref<!tpu.dma_semaphore, #tpu.memory_space<semaphore_mem>>)
      %dma_wait3A_158 = arith.constant 0 : i32
      %dma_wait3A_159 = arith.constant 0 : i32
      %dma_wait3A_160 = tpu.memref_slice %arg21[%dma_wait3A_158, %dma_wait3A_159] : memref<10240x128xf32, #tpu.memory_space<vmem_shared>> -> memref<10240x128xf32, #tpu.memory_space<vmem_shared>>
      tpu.wait_indirect_dma semaphore(%arg20 : memref<!tpu.dma_semaphore, #tpu.memory_space<semaphore_mem>>) src(%arg14 : memref<64x128xf32, #tpu.memory_space<vmem>>) dst(%dma_wait3A_160 : memref<10240x128xf32, #tpu.memory_space<vmem_shared>>)
      %add3A_161 = arith.constant 3 : i32
      %add3A_162 = arith.addi %mul3A_89, %add3A_161 : i32
      %mul3A_163 = arith.constant 64 : i32
      %mul3A_164 = arith.muli %add3A_162, %mul3A_163 : i32
      %add3A_165 = arith.addi %mul3A_26, %mul3A_164 : i32
      %dma_start3A_166 = tpu.memref_slice %arg5[%add3A_165] : memref<327680xi32, #tpu.memory_space<hbm>> -> memref<64xi32, #tpu.memory_space<hbm>>
      %dma_start3A_167 = tpu.memref_slice %arg5[%add3A_165] : memref<327680xi32, #tpu.memory_space<hbm>> -> memref<64xi32, #tpu.memory_space<hbm>>
      tpu.enqueue_dma source(%dma_start3A_167 : memref<64xi32, #tpu.memory_space<hbm>>) target(%arg8 : memref<64xi32, #tpu.memory_space<vmem>>) target_semaphore(%arg16 : memref<!tpu.dma_semaphore, #tpu.memory_space<semaphore_mem>>)
      %dma_start3A_168 = tpu.memref_slice %arg4[%add3A_165] : memref<327680xi32, #tpu.memory_space<hbm>> -> memref<64xi32, #tpu.memory_space<hbm>>
      %dma_start3A_169 = tpu.memref_slice %arg4[%add3A_165] : memref<327680xi32, #tpu.memory_space<hbm>> -> memref<64xi32, #tpu.memory_space<hbm>>
      tpu.enqueue_dma source(%dma_start3A_169 : memref<64xi32, #tpu.memory_space<hbm>>) target(%arg10 : memref<64xi32, #tpu.memory_space<vmem>>) target_semaphore(%arg16 : memref<!tpu.dma_semaphore, #tpu.memory_space<semaphore_mem>>)
      %dma_start3A_170 = arith.constant 0 : i32
      %dma_start3A_171 = tpu.memref_slice %arg3[%add3A_165, %dma_start3A_170] : memref<327680x128xf32, #tpu.memory_space<hbm>> -> memref<64x128xf32, #tpu.memory_space<hbm>>
      %dma_start3A_172 = arith.constant 0 : i32
      %dma_start3A_173 = tpu.memref_slice %arg3[%add3A_165, %dma_start3A_172] : memref<327680x128xf32, #tpu.memory_space<hbm>> -> memref<64x128xf32, #tpu.memory_space<hbm>>
      tpu.enqueue_dma source(%dma_start3A_173 : memref<64x128xf32, #tpu.memory_space<hbm>>) target(%arg12 : memref<64x128xf32, #tpu.memory_space<vmem>>) target_semaphore(%arg16 : memref<!tpu.dma_semaphore, #tpu.memory_space<semaphore_mem>>)
      %scan3A_174 = arith.constant 0 : i32
      scf.yield %scan3A_174 : i32
    }
    %scan3A_67 = arith.constant 79 : i32
    %dma_wait3A_68 = arith.constant 0 : i32
    %dma_wait3A_69 = arith.constant 0 : i32
    %dma_wait3A_70 = tpu.memref_slice %arg2[%dma_wait3A_68, %dma_wait3A_69] : memref<10000x128xf32, #tpu.memory_space<hbm>> -> memref<10000x128xf32, #tpu.memory_space<hbm>>
    tpu.wait_indirect_dma semaphore(%arg17 : memref<!tpu.dma_semaphore, #tpu.memory_space<semaphore_mem>>) src(%dma_wait3A_70 : memref<10000x128xf32, #tpu.memory_space<hbm>>) dst(%arg13 : memref<64x128xf32, #tpu.memory_space<vmem>>)
    %dma_wait3A_71 = arith.constant 0 : i32
    %dma_wait3A_72 = tpu.memref_slice %arg5[%dma_wait3A_71] : memref<327680xi32, #tpu.memory_space<hbm>> -> memref<64xi32, #tpu.memory_space<hbm>>
    %dma_wait3A_73 = arith.constant 0 : i32
    %dma_wait3A_74 = tpu.memref_slice %arg5[%dma_wait3A_73] : memref<327680xi32, #tpu.memory_space<hbm>> -> memref<64xi32, #tpu.memory_space<hbm>>
    tpu.wait_dma2 semaphore(%arg16 : memref<!tpu.dma_semaphore, #tpu.memory_space<semaphore_mem>>) src(%dma_wait3A_74 : memref<64xi32, #tpu.memory_space<hbm>>) dst(%arg8 : memref<64xi32, #tpu.memory_space<vmem>>)
    %dma_wait3A_75 = arith.constant 0 : i32
    %dma_wait3A_76 = tpu.memref_slice %arg4[%dma_wait3A_75] : memref<327680xi32, #tpu.memory_space<hbm>> -> memref<64xi32, #tpu.memory_space<hbm>>
    %dma_wait3A_77 = arith.constant 0 : i32
    %dma_wait3A_78 = tpu.memref_slice %arg4[%dma_wait3A_77] : memref<327680xi32, #tpu.memory_space<hbm>> -> memref<64xi32, #tpu.memory_space<hbm>>
    tpu.wait_dma2 semaphore(%arg16 : memref<!tpu.dma_semaphore, #tpu.memory_space<semaphore_mem>>) src(%dma_wait3A_78 : memref<64xi32, #tpu.memory_space<hbm>>) dst(%arg10 : memref<64xi32, #tpu.memory_space<vmem>>)
    %dma_wait3A_79 = arith.constant 0 : i32
    %dma_wait3A_80 = arith.constant 0 : i32
    %dma_wait3A_81 = tpu.memref_slice %arg3[%dma_wait3A_79, %dma_wait3A_80] : memref<327680x128xf32, #tpu.memory_space<hbm>> -> memref<64x128xf32, #tpu.memory_space<hbm>>
    %dma_wait3A_82 = arith.constant 0 : i32
    %dma_wait3A_83 = arith.constant 0 : i32
    %dma_wait3A_84 = tpu.memref_slice %arg3[%dma_wait3A_82, %dma_wait3A_83] : memref<327680x128xf32, #tpu.memory_space<hbm>> -> memref<64x128xf32, #tpu.memory_space<hbm>>
    tpu.wait_dma2 semaphore(%arg16 : memref<!tpu.dma_semaphore, #tpu.memory_space<semaphore_mem>>) src(%dma_wait3A_84 : memref<64x128xf32, #tpu.memory_space<hbm>>) dst(%arg12 : memref<64x128xf32, #tpu.memory_space<vmem>>)
    %barrier3A_85 = arith.constant 0 : index
    tpu.barrier barrier_id(%barrier3A_85)
    "tpu.region"() ({
      %run_scoped3A = tpu.sem_alloc : memref<!tpu.dma_semaphore, #tpu.memory_space<semaphore_mem>>
      %dma_start3A_86 = arith.constant 0 : i32
      %dma_start3A_87 = tpu.memref_slice %arg6[%arg0, %mul3A_4, %dma_start3A_86] : memref<2x10240x128xf32, #tpu.memory_space<hbm>> -> memref<1x640x128xf32, #tpu.memory_space<hbm>>
      %dma_start3A_88 = tpu.memref_squeeze %dma_start3A_87 : memref<1x640x128xf32, #tpu.memory_space<hbm>> -> memref<640x128xf32, #tpu.memory_space<hbm>>
      %dma_start3A_89 = arith.constant 0 : i32
      %dma_start3A_90 = tpu.memref_slice %arg21[%mul3A_4, %dma_start3A_89] : memref<10240x128xf32, #tpu.memory_space<vmem_shared>> -> memref<640x128xf32, #tpu.memory_space<vmem_shared>>
      tpu.enqueue_dma source(%dma_start3A_90 : memref<640x128xf32, #tpu.memory_space<vmem_shared>>) target(%dma_start3A_88 : memref<640x128xf32, #tpu.memory_space<hbm>>) target_semaphore(%run_scoped3A : memref<!tpu.dma_semaphore, #tpu.memory_space<semaphore_mem>>)
      %dma_wait3A_91 = arith.constant 0 : i32
      %dma_wait3A_92 = tpu.memref_slice %arg6[%arg0, %mul3A_4, %dma_wait3A_91] : memref<2x10240x128xf32, #tpu.memory_space<hbm>> -> memref<1x640x128xf32, #tpu.memory_space<hbm>>
      %dma_wait3A_93 = tpu.memref_squeeze %dma_wait3A_92 : memref<1x640x128xf32, #tpu.memory_space<hbm>> -> memref<640x128xf32, #tpu.memory_space<hbm>>
      %dma_wait3A_94 = arith.constant 0 : i32
      %dma_wait3A_95 = tpu.memref_slice %arg21[%mul3A_4, %dma_wait3A_94] : memref<10240x128xf32, #tpu.memory_space<vmem_shared>> -> memref<640x128xf32, #tpu.memory_space<vmem_shared>>
      tpu.wait_dma2 semaphore(%run_scoped3A : memref<!tpu.dma_semaphore, #tpu.memory_space<semaphore_mem>>) src(%dma_wait3A_95 : memref<640x128xf32, #tpu.memory_space<vmem_shared>>) dst(%dma_wait3A_93 : memref<640x128xf32, #tpu.memory_space<hbm>>)
      tpu.yield
    }) : () -> ()
    return
  }
}

module attributes {stable_mosaic.version = 14 : i64} {
  func.func @_edge_g_body(%arg0: i32, %arg1: memref<10000x16xf32, #tpu.memory_space<vmem>>, %arg2: memref<16x128xf32, #tpu.memory_space<vmem>>, %arg3: memref<10240x128xf32, #tpu.memory_space<vmem>>) attributes {dimension_semantics = [#tpu.dimension_semantics<arbitrary>], iteration_bounds = array<i64: 32>, scalar_prefetch = 0 : i64, scratch_operands = 0 : i64, tpu.core_type = #tpu.core_type<tc>, window_params = [{transform_indices = @transform_0, window_bounds = array<i64: 10000, 16>}, {pipeline_mode = #tpu.pipeline_mode<synchronous>, transform_indices = @transform_1, window_bounds = array<i64: 16, 128>}, {transform_indices = @transform_2, window_bounds = array<i64: 10240, 128>}]} {
    %get3A = arith.constant 0 : index
    %get3A_0 = arith.constant 0 : index
    %get3A_1 = vector.load %arg1[%get3A, %get3A_0] : memref<10000x16xf32, #tpu.memory_space<vmem>>, vector<10000x16xf32>
    %get3A_2 = arith.constant 0 : index
    %get3A_3 = arith.constant 0 : index
    %get3A_4 = vector.load %arg2[%get3A_2, %get3A_3] : memref<16x128xf32, #tpu.memory_space<vmem>>, vector<16x128xf32>
    %dot_general3A = arith.constant dense<0.000000e+00> : vector<10000x128xf32>
    %dot_general3A_5 = tpu.matmul %get3A_1, %get3A_4, %dot_general3A {dimension_numbers = #tpu.dot_dimension_numbers<[1], [0], [0], [1], [0, 0, 1, 1], [], []>, transpose_lhs_hint = false} : vector<10000x16xf32>, vector<16x128xf32>, vector<10000x128xf32> -> vector<10000x128xf32>
    %swap3A = arith.constant 0 : index
    %swap3A_6 = arith.constant 0 : index
    %swap3A_7 = vector.load %arg3[%swap3A, %swap3A_6] : memref<10240x128xf32, #tpu.memory_space<vmem>>, vector<10000x128xf32>
    tpu.vector_store %arg3[%swap3A, %swap3A_6], %dot_general3A_5 {strides = array<i32>} : memref<10240x128xf32, #tpu.memory_space<vmem>>, vector<10000x128xf32>,
    %broadcast_in_dim3A = arith.constant 0.000000e+00 : f32
    %broadcast_in_dim3A_8 = vector.broadcast %broadcast_in_dim3A : f32 to vector<240x128xf32>
    %swap3A_9 = arith.constant 10000 : index
    %swap3A_10 = arith.constant 0 : index
    %swap3A_11 = vector.load %arg3[%swap3A_9, %swap3A_10] : memref<10240x128xf32, #tpu.memory_space<vmem>>, vector<240x128xf32>
    tpu.vector_store %arg3[%swap3A_9, %swap3A_10], %broadcast_in_dim3A_8 {strides = array<i32>} : memref<10240x128xf32, #tpu.memory_space<vmem>>, vector<240x128xf32>,
    return
  }
  func.func @transform_0(%arg0: i32) -> (i32, i32) {
    %c0_i32 = arith.constant 0 : i32
    %c0_i32_0 = arith.constant 0 : i32
    return %arg0, %c0_i32 : i32, i32
  }
  func.func @transform_1(%arg0: i32) -> (i32, i32) {
    %c0_i32 = arith.constant 0 : i32
    %c0_i32_0 = arith.constant 0 : i32
    %c0_i32_1 = arith.constant 0 : i32
    return %c0_i32, %c0_i32_0 : i32, i32
  }
  func.func @transform_2(%arg0: i32) -> (i32, i32) {
    %c0_i32 = arith.constant 0 : i32
    %c0_i32_0 = arith.constant 0 : i32
    return %arg0, %c0_i32 : i32, i32
  }
}

module attributes {stable_mosaic.version = 14 : i64} {
  func.func @_node_pre_body(%arg0: i32, %arg1: memref<1000x128xf32, #tpu.memory_space<vmem>>, %arg2: memref<128x128xf32, #tpu.memory_space<vmem>>, %arg3: memref<1x128xf32, #tpu.memory_space<vmem>>, %arg4: memref<128x128xf32, #tpu.memory_space<vmem>>, %arg5: memref<1x128xf32, #tpu.memory_space<vmem>>, %arg6: memref<1000x128xf32, #tpu.memory_space<vmem>>, %arg7: memref<1000x128xf32, #tpu.memory_space<vmem>>, %arg8: memref<1000x128xf32, #tpu.memory_space<vmem>>) attributes {dimension_semantics = [#tpu.dimension_semantics<arbitrary>], iteration_bounds = array<i64: 10>, scalar_prefetch = 0 : i64, scratch_operands = 0 : i64, tpu.core_type = #tpu.core_type<tc>, window_params = [{transform_indices = @transform_0, window_bounds = array<i64: 1000, 128>}, {pipeline_mode = #tpu.pipeline_mode<synchronous>, transform_indices = @transform_1, window_bounds = array<i64: 128, 128>}, {pipeline_mode = #tpu.pipeline_mode<synchronous>, transform_indices = @transform_2, window_bounds = array<i64: 1, 128>}, {pipeline_mode = #tpu.pipeline_mode<synchronous>, transform_indices = @transform_3, window_bounds = array<i64: 128, 128>}, {pipeline_mode = #tpu.pipeline_mode<synchronous>, transform_indices = @transform_4, window_bounds = array<i64: 1, 128>}, {transform_indices = @transform_5, window_bounds = array<i64: 1000, 128>}, {transform_indices = @transform_6, window_bounds = array<i64: 1000, 128>}, {transform_indices = @transform_7, window_bounds = array<i64: 1000, 128>}]} {
    %get3A = arith.constant 0 : index
    %get3A_0 = arith.constant 0 : index
    %get3A_1 = vector.load %arg1[%get3A, %get3A_0] : memref<1000x128xf32, #tpu.memory_space<vmem>>, vector<1000x128xf32>
    %max3A = arith.constant 0.000000e+00 : f32
    %max3A_2 = vector.broadcast %max3A : f32 to vector<1000x128xf32>
    %max3A_3 = arith.maximumf %get3A_1, %max3A_2 : vector<1000x128xf32>
    %abs3A = math.absf %get3A_1 : vector<1000x128xf32>
    %neg3A = arith.constant 0.000000e+00 : f32
    %neg3A_4 = vector.broadcast %neg3A : f32 to vector<1000x128xf32>
    %neg3A_5 = arith.subf %neg3A_4, %abs3A : vector<1000x128xf32>
    %exp3A = math.exp %neg3A_5 : vector<1000x128xf32>
    %log1p3A = math.log1p %exp3A : vector<1000x128xf32>
    %add3A = arith.addf %max3A_3, %log1p3A : vector<1000x128xf32>
    %swap3A = arith.constant 0 : index
    %swap3A_6 = arith.constant 0 : index
    %swap3A_7 = vector.load %arg6[%swap3A, %swap3A_6] : memref<1000x128xf32, #tpu.memory_space<vmem>>, vector<1000x128xf32>
    tpu.vector_store %arg6[%swap3A, %swap3A_6], %add3A {strides = array<i32>} : memref<1000x128xf32, #tpu.memory_space<vmem>>, vector<1000x128xf32>,
    %get3A_8 = arith.constant 0 : index
    %get3A_9 = arith.constant 0 : index
    %get3A_10 = vector.load %arg2[%get3A_8, %get3A_9] : memref<128x128xf32, #tpu.memory_space<vmem>>, vector<128x128xf32>
    %dot_general3A = arith.constant dense<0.000000e+00> : vector<1000x128xf32>
    %dot_general3A_11 = tpu.matmul %add3A, %get3A_10, %dot_general3A {dimension_numbers = #tpu.dot_dimension_numbers<[1], [0], [0], [1], [0, 0, 1, 1], [], []>, transpose_lhs_hint = false} : vector<1000x128xf32>, vector<128x128xf32>, vector<1000x128xf32> -> vector<1000x128xf32>
    %get3A_12 = arith.constant 0 : index
    %get3A_13 = arith.constant 0 : index
    %get3A_14 = vector.load %arg3[%get3A_12, %get3A_13] : memref<1x128xf32, #tpu.memory_space<vmem>>, vector<1x128xf32>
    %add3A_15 = vector.broadcast %get3A_14 : vector<1x128xf32> to vector<1000x128xf32>
    %add3A_16 = arith.addf %dot_general3A_11, %add3A_15 : vector<1000x128xf32>
    %max3A_17 = arith.constant 0.000000e+00 : f32
    %max3A_18 = vector.broadcast %max3A_17 : f32 to vector<1000x128xf32>
    %max3A_19 = arith.maximumf %add3A_16, %max3A_18 : vector<1000x128xf32>
    %abs3A_20 = math.absf %add3A_16 : vector<1000x128xf32>
    %neg3A_21 = arith.constant 0.000000e+00 : f32
    %neg3A_22 = vector.broadcast %neg3A_21 : f32 to vector<1000x128xf32>
    %neg3A_23 = arith.subf %neg3A_22, %abs3A_20 : vector<1000x128xf32>
    %exp3A_24 = math.exp %neg3A_23 : vector<1000x128xf32>
    %log1p3A_25 = math.log1p %exp3A_24 : vector<1000x128xf32>
    %add3A_26 = arith.addf %max3A_19, %log1p3A_25 : vector<1000x128xf32>
    %swap3A_27 = arith.constant 0 : index
    %swap3A_28 = arith.constant 0 : index
    %swap3A_29 = vector.load %arg7[%swap3A_27, %swap3A_28] : memref<1000x128xf32, #tpu.memory_space<vmem>>, vector<1000x128xf32>
    tpu.vector_store %arg7[%swap3A_27, %swap3A_28], %add3A_26 {strides = array<i32>} : memref<1000x128xf32, #tpu.memory_space<vmem>>, vector<1000x128xf32>,
    %get3A_30 = arith.constant 0 : index
    %get3A_31 = arith.constant 0 : index
    %get3A_32 = vector.load %arg4[%get3A_30, %get3A_31] : memref<128x128xf32, #tpu.memory_space<vmem>>, vector<128x128xf32>
    %dot_general3A_33 = arith.constant dense<0.000000e+00> : vector<1000x128xf32>
    %dot_general3A_34 = tpu.matmul %add3A, %get3A_32, %dot_general3A_33 {dimension_numbers = #tpu.dot_dimension_numbers<[1], [0], [0], [1], [0, 0, 1, 1], [], []>, transpose_lhs_hint = false} : vector<1000x128xf32>, vector<128x128xf32>, vector<1000x128xf32> -> vector<1000x128xf32>
    %get3A_35 = arith.constant 0 : index
    %get3A_36 = arith.constant 0 : index
    %get3A_37 = vector.load %arg5[%get3A_35, %get3A_36] : memref<1x128xf32, #tpu.memory_space<vmem>>, vector<1x128xf32>
    %add3A_38 = vector.broadcast %get3A_37 : vector<1x128xf32> to vector<1000x128xf32>
    %add3A_39 = arith.addf %dot_general3A_34, %add3A_38 : vector<1000x128xf32>
    %max3A_40 = arith.constant 0.000000e+00 : f32
    %max3A_41 = vector.broadcast %max3A_40 : f32 to vector<1000x128xf32>
    %max3A_42 = arith.maximumf %add3A_39, %max3A_41 : vector<1000x128xf32>
    %abs3A_43 = math.absf %add3A_39 : vector<1000x128xf32>
    %neg3A_44 = arith.constant 0.000000e+00 : f32
    %neg3A_45 = vector.broadcast %neg3A_44 : f32 to vector<1000x128xf32>
    %neg3A_46 = arith.subf %neg3A_45, %abs3A_43 : vector<1000x128xf32>
    %exp3A_47 = math.exp %neg3A_46 : vector<1000x128xf32>
    %log1p3A_48 = math.log1p %exp3A_47 : vector<1000x128xf32>
    %add3A_49 = arith.addf %max3A_42, %log1p3A_48 : vector<1000x128xf32>
    %swap3A_50 = arith.constant 0 : index
    %swap3A_51 = arith.constant 0 : index
    %swap3A_52 = vector.load %arg8[%swap3A_50, %swap3A_51] : memref<1000x128xf32, #tpu.memory_space<vmem>>, vector<1000x128xf32>
    tpu.vector_store %arg8[%swap3A_50, %swap3A_51], %add3A_49 {strides = array<i32>} : memref<1000x128xf32, #tpu.memory_space<vmem>>, vector<1000x128xf32>,
    return
  }
  func.func @transform_0(%arg0: i32) -> (i32, i32) {
    %c0_i32 = arith.constant 0 : i32
    %c0_i32_0 = arith.constant 0 : i32
    return %arg0, %c0_i32 : i32, i32
  }
  func.func @transform_1(%arg0: i32) -> (i32, i32) {
    %c0_i32 = arith.constant 0 : i32
    %c0_i32_0 = arith.constant 0 : i32
    %c0_i32_1 = arith.constant 0 : i32
    return %c0_i32, %c0_i32_0 : i32, i32
  }
  func.func @transform_2(%arg0: i32) -> (i32, i32) {
    %c0_i32 = arith.constant 0 : i32
    %c0_i32_0 = arith.constant 0 : i32
    %c0_i32_1 = arith.constant 0 : i32
    return %c0_i32, %c0_i32_0 : i32, i32
  }
  func.func @transform_3(%arg0: i32) -> (i32, i32) {
    %c0_i32 = arith.constant 0 : i32
    %c0_i32_0 = arith.constant 0 : i32
    %c0_i32_1 = arith.constant 0 : i32
    return %c0_i32, %c0_i32_0 : i32, i32
  }
  func.func @transform_4(%arg0: i32) -> (i32, i32) {
    %c0_i32 = arith.constant 0 : i32
    %c0_i32_0 = arith.constant 0 : i32
    %c0_i32_1 = arith.constant 0 : i32
    return %c0_i32, %c0_i32_0 : i32, i32
  }
  func.func @transform_5(%arg0: i32) -> (i32, i32) {
    %c0_i32 = arith.constant 0 : i32
    %c0_i32_0 = arith.constant 0 : i32
    return %arg0, %c0_i32 : i32, i32
  }
  func.func @transform_6(%arg0: i32) -> (i32, i32) {
    %c0_i32 = arith.constant 0 : i32
    %c0_i32_0 = arith.constant 0 : i32
    return %arg0, %c0_i32 : i32, i32
  }
  func.func @transform_7(%arg0: i32) -> (i32, i32) {
    %c0_i32 = arith.constant 0 : i32
    %c0_i32_0 = arith.constant 0 : i32
    return %arg0, %c0_i32 : i32, i32
  }
}

module attributes {stable_mosaic.version = 14 : i64} {
  func.func @_post_body(%arg0: i32, %arg1: memref<1000x128xf32, #tpu.memory_space<vmem>>, %arg2: memref<2x1000x128xf32, #tpu.memory_space<vmem>>, %arg3: memref<1000x128xf32, #tpu.memory_space<vmem>>, %arg4: memref<3x128x128xf32, #tpu.memory_space<vmem>>, %arg5: memref<3x1x128xf32, #tpu.memory_space<vmem>>, %arg6: memref<3x128x128xf32, #tpu.memory_space<vmem>>, %arg7: memref<3x1x128xf32, #tpu.memory_space<vmem>>, %arg8: memref<1x128xf32, #tpu.memory_space<vmem>>, %arg9: memref<128x128xf32, #tpu.memory_space<vmem>>, %arg10: memref<1x128xf32, #tpu.memory_space<vmem>>, %arg11: memref<2x128x128xf32, #tpu.memory_space<vmem>>, %arg12: memref<2x1x128xf32, #tpu.memory_space<vmem>>, %arg13: memref<2x128x128xf32, #tpu.memory_space<vmem>>, %arg14: memref<2x1x128xf32, #tpu.memory_space<vmem>>, %arg15: memref<128x128xf32, #tpu.memory_space<vmem>>, %arg16: memref<1x128xf32, #tpu.memory_space<vmem>>, %arg17: memref<1000x128xf32, #tpu.memory_space<vmem>>, %arg18: memref<1000x128xf32, #tpu.memory_space<vmem>>) attributes {dimension_semantics = [#tpu.dimension_semantics<arbitrary>], iteration_bounds = array<i64: 10>, scalar_prefetch = 0 : i64, scratch_operands = 0 : i64, tpu.core_type = #tpu.core_type<tc>, window_params = [{transform_indices = @transform_0, window_bounds = array<i64: 1000, 128>}, {transform_indices = @transform_1, window_bounds = array<i64: 2, 1000, 128>}, {transform_indices = @transform_2, window_bounds = array<i64: 1000, 128>}, {pipeline_mode = #tpu.pipeline_mode<synchronous>, transform_indices = @transform_3, window_bounds = array<i64: 3, 128, 128>}, {pipeline_mode = #tpu.pipeline_mode<synchronous>, transform_indices = @transform_4, window_bounds = array<i64: 3, 1, 128>}, {pipeline_mode = #tpu.pipeline_mode<synchronous>, transform_indices = @transform_5, window_bounds = array<i64: 3, 128, 128>}, {pipeline_mode = #tpu.pipeline_mode<synchronous>, transform_indices = @transform_6, window_bounds = array<i64: 3, 1, 128>}, {pipeline_mode = #tpu.pipeline_mode<synchronous>, transform_indices = @transform_7, window_bounds = array<i64: 1, 128>}, {pipeline_mode = #tpu.pipeline_mode<synchronous>, transform_indices = @transform_8, window_bounds = array<i64: 128, 128>}, {pipeline_mode = #tpu.pipeline_mode<synchronous>, transform_indices = @transform_9, window_bounds = array<i64: 1, 128>}, {pipeline_mode = #tpu.pipeline_mode<synchronous>, transform_indices = @transform_10, window_bounds = array<i64: 2, 128, 128>}, {pipeline_mode = #tpu.pipeline_mode<synchronous>, transform_indices = @transform_11, window_bounds = array<i64: 2, 1, 128>}, {pipeline_mode = #tpu.pipeline_mode<synchronous>, transform_indices = @transform_12, window_bounds = array<i64: 2, 128, 128>}, {pipeline_mode = #tpu.pipeline_mode<synchronous>, transform_indices = @transform_13, window_bounds = array<i64: 2, 1, 128>}, {pipeline_mode = #tpu.pipeline_mode<synchronous>, transform_indices = @transform_14, window_bounds = array<i64: 128, 128>}, {pipeline_mode = #tpu.pipeline_mode<synchronous>, transform_indices = @transform_15, window_bounds = array<i64: 1, 128>}, {transform_indices = @transform_16, window_bounds = array<i64: 1000, 128>}, {transform_indices = @transform_17, window_bounds = array<i64: 1000, 128>}]} {
    %get3A = arith.constant 0 : index
    %get3A_0 = arith.constant 0 : index
    %get3A_1 = vector.load %arg1[%get3A, %get3A_0] : memref<1000x128xf32, #tpu.memory_space<vmem>>, vector<1000x128xf32>
    %get3A_2 = arith.constant 0 : index
    %get3A_3 = arith.constant 0 : index
    %get3A_4 = arith.constant 0 : index
    %get3A_5 = vector.load %arg2[%get3A_2, %get3A_3, %get3A_4] : memref<2x1000x128xf32, #tpu.memory_space<vmem>>, vector<1x1000x128xf32>
    %get3A_6 = vector.shape_cast %get3A_5 : vector<1x1000x128xf32> to vector<1000x128xf32>
    %add3A = arith.addf %get3A_1, %get3A_6 : vector<1000x128xf32>
    %get3A_7 = arith.constant 1 : index
    %get3A_8 = arith.constant 0 : index
    %get3A_9 = arith.constant 0 : index
    %get3A_10 = vector.load %arg2[%get3A_7, %get3A_8, %get3A_9] : memref<2x1000x128xf32, #tpu.memory_space<vmem>>, vector<1x1000x128xf32>
    %get3A_11 = vector.shape_cast %get3A_10 : vector<1x1000x128xf32> to vector<1000x128xf32>
    %add3A_12 = arith.addf %add3A, %get3A_11 : vector<1000x128xf32>
    %max3A = arith.constant 0.000000e+00 : f32
    %max3A_13 = vector.broadcast %max3A : f32 to vector<1000x128xf32>
    %max3A_14 = arith.maximumf %add3A_12, %max3A_13 : vector<1000x128xf32>
    %abs3A = math.absf %add3A_12 : vector<1000x128xf32>
    %neg3A = arith.constant 0.000000e+00 : f32
    %neg3A_15 = vector.broadcast %neg3A : f32 to vector<1000x128xf32>
    %neg3A_16 = arith.subf %neg3A_15, %abs3A : vector<1000x128xf32>
    %exp3A = math.exp %neg3A_16 : vector<1000x128xf32>
    %log1p3A = math.log1p %exp3A : vector<1000x128xf32>
    %add3A_17 = arith.addf %max3A_14, %log1p3A : vector<1000x128xf32>
    %get3A_18 = arith.constant 0 : index
    %get3A_19 = arith.constant 0 : index
    %get3A_20 = arith.constant 0 : index
    %get3A_21 = vector.load %arg4[%get3A_18, %get3A_19, %get3A_20] : memref<3x128x128xf32, #tpu.memory_space<vmem>>, vector<1x128x128xf32>
    %get3A_22 = vector.shape_cast %get3A_21 : vector<1x128x128xf32> to vector<128x128xf32>
    %dot_general3A = arith.constant dense<0.000000e+00> : vector<1000x128xf32>
    %dot_general3A_23 = tpu.matmul %add3A_17, %get3A_22, %dot_general3A {dimension_numbers = #tpu.dot_dimension_numbers<[1], [0], [0], [1], [0, 0, 1, 1], [], []>, transpose_lhs_hint = false} : vector<1000x128xf32>, vector<128x128xf32>, vector<1000x128xf32> -> vector<1000x128xf32>
    %get3A_24 = arith.constant 0 : index
    %get3A_25 = arith.constant 0 : index
    %get3A_26 = arith.constant 0 : index
    %get3A_27 = vector.load %arg5[%get3A_24, %get3A_25, %get3A_26] : memref<3x1x128xf32, #tpu.memory_space<vmem>>, vector<1x1x128xf32>
    %get3A_28 = vector.shape_cast %get3A_27 : vector<1x1x128xf32> to vector<1x128xf32>
    %add3A_29 = vector.broadcast %get3A_28 : vector<1x128xf32> to vector<1000x128xf32>
    %add3A_30 = arith.addf %dot_general3A_23, %add3A_29 : vector<1000x128xf32>
    %max3A_31 = arith.constant 0.000000e+00 : f32
    %max3A_32 = vector.broadcast %max3A_31 : f32 to vector<1000x128xf32>
    %max3A_33 = arith.maximumf %add3A_30, %max3A_32 : vector<1000x128xf32>
    %abs3A_34 = math.absf %add3A_30 : vector<1000x128xf32>
    %neg3A_35 = arith.constant 0.000000e+00 : f32
    %neg3A_36 = vector.broadcast %neg3A_35 : f32 to vector<1000x128xf32>
    %neg3A_37 = arith.subf %neg3A_36, %abs3A_34 : vector<1000x128xf32>
    %exp3A_38 = math.exp %neg3A_37 : vector<1000x128xf32>
    %log1p3A_39 = math.log1p %exp3A_38 : vector<1000x128xf32>
    %add3A_40 = arith.addf %max3A_33, %log1p3A_39 : vector<1000x128xf32>
    %get3A_41 = arith.constant 0 : index
    %get3A_42 = arith.constant 0 : index
    %get3A_43 = arith.constant 0 : index
    %get3A_44 = vector.load %arg6[%get3A_41, %get3A_42, %get3A_43] : memref<3x128x128xf32, #tpu.memory_space<vmem>>, vector<1x128x128xf32>
    %get3A_45 = vector.shape_cast %get3A_44 : vector<1x128x128xf32> to vector<128x128xf32>
    %dot_general3A_46 = arith.constant dense<0.000000e+00> : vector<1000x128xf32>
    %dot_general3A_47 = tpu.matmul %add3A_40, %get3A_45, %dot_general3A_46 {dimension_numbers = #tpu.dot_dimension_numbers<[1], [0], [0], [1], [0, 0, 1, 1], [], []>, transpose_lhs_hint = false} : vector<1000x128xf32>, vector<128x128xf32>, vector<1000x128xf32> -> vector<1000x128xf32>
    %get3A_48 = arith.constant 0 : index
    %get3A_49 = arith.constant 0 : index
    %get3A_50 = arith.constant 0 : index
    %get3A_51 = vector.load %arg7[%get3A_48, %get3A_49, %get3A_50] : memref<3x1x128xf32, #tpu.memory_space<vmem>>, vector<1x1x128xf32>
    %get3A_52 = vector.shape_cast %get3A_51 : vector<1x1x128xf32> to vector<1x128xf32>
    %add3A_53 = vector.broadcast %get3A_52 : vector<1x128xf32> to vector<1000x128xf32>
    %add3A_54 = arith.addf %dot_general3A_47, %add3A_53 : vector<1000x128xf32>
    %add3A_55 = arith.addf %add3A_12, %add3A_54 : vector<1000x128xf32>
    %max3A_56 = arith.constant 0.000000e+00 : f32
    %max3A_57 = vector.broadcast %max3A_56 : f32 to vector<1000x128xf32>
    %max3A_58 = arith.maximumf %add3A_55, %max3A_57 : vector<1000x128xf32>
    %abs3A_59 = math.absf %add3A_55 : vector<1000x128xf32>
    %neg3A_60 = arith.constant 0.000000e+00 : f32
    %neg3A_61 = vector.broadcast %neg3A_60 : f32 to vector<1000x128xf32>
    %neg3A_62 = arith.subf %neg3A_61, %abs3A_59 : vector<1000x128xf32>
    %exp3A_63 = math.exp %neg3A_62 : vector<1000x128xf32>
    %log1p3A_64 = math.log1p %exp3A_63 : vector<1000x128xf32>
    %add3A_65 = arith.addf %max3A_58, %log1p3A_64 : vector<1000x128xf32>
    %get3A_66 = arith.constant 1 : index
    %get3A_67 = arith.constant 0 : index
    %get3A_68 = arith.constant 0 : index
    %get3A_69 = vector.load %arg4[%get3A_66, %get3A_67, %get3A_68] : memref<3x128x128xf32, #tpu.memory_space<vmem>>, vector<1x128x128xf32>
    %get3A_70 = vector.shape_cast %get3A_69 : vector<1x128x128xf32> to vector<128x128xf32>
    %dot_general3A_71 = arith.constant dense<0.000000e+00> : vector<1000x128xf32>
    %dot_general3A_72 = tpu.matmul %add3A_65, %get3A_70, %dot_general3A_71 {dimension_numbers = #tpu.dot_dimension_numbers<[1], [0], [0], [1], [0, 0, 1, 1], [], []>, transpose_lhs_hint = false} : vector<1000x128xf32>, vector<128x128xf32>, vector<1000x128xf32> -> vector<1000x128xf32>
    %get3A_73 = arith.constant 1 : index
    %get3A_74 = arith.constant 0 : index
    %get3A_75 = arith.constant 0 : index
    %get3A_76 = vector.load %arg5[%get3A_73, %get3A_74, %get3A_75] : memref<3x1x128xf32, #tpu.memory_space<vmem>>, vector<1x1x128xf32>
    %get3A_77 = vector.shape_cast %get3A_76 : vector<1x1x128xf32> to vector<1x128xf32>
    %add3A_78 = vector.broadcast %get3A_77 : vector<1x128xf32> to vector<1000x128xf32>
    %add3A_79 = arith.addf %dot_general3A_72, %add3A_78 : vector<1000x128xf32>
    %max3A_80 = arith.constant 0.000000e+00 : f32
    %max3A_81 = vector.broadcast %max3A_80 : f32 to vector<1000x128xf32>
    %max3A_82 = arith.maximumf %add3A_79, %max3A_81 : vector<1000x128xf32>
    %abs3A_83 = math.absf %add3A_79 : vector<1000x128xf32>
    %neg3A_84 = arith.constant 0.000000e+00 : f32
    %neg3A_85 = vector.broadcast %neg3A_84 : f32 to vector<1000x128xf32>
    %neg3A_86 = arith.subf %neg3A_85, %abs3A_83 : vector<1000x128xf32>
    %exp3A_87 = math.exp %neg3A_86 : vector<1000x128xf32>
    %log1p3A_88 = math.log1p %exp3A_87 : vector<1000x128xf32>
    %add3A_89 = arith.addf %max3A_82, %log1p3A_88 : vector<1000x128xf32>
    %get3A_90 = arith.constant 1 : index
    %get3A_91 = arith.constant 0 : index
    %get3A_92 = arith.constant 0 : index
    %get3A_93 = vector.load %arg6[%get3A_90, %get3A_91, %get3A_92] : memref<3x128x128xf32, #tpu.memory_space<vmem>>, vector<1x128x128xf32>
    %get3A_94 = vector.shape_cast %get3A_93 : vector<1x128x128xf32> to vector<128x128xf32>
    %dot_general3A_95 = arith.constant dense<0.000000e+00> : vector<1000x128xf32>
    %dot_general3A_96 = tpu.matmul %add3A_89, %get3A_94, %dot_general3A_95 {dimension_numbers = #tpu.dot_dimension_numbers<[1], [0], [0], [1], [0, 0, 1, 1], [], []>, transpose_lhs_hint = false} : vector<1000x128xf32>, vector<128x128xf32>, vector<1000x128xf32> -> vector<1000x128xf32>
    %get3A_97 = arith.constant 1 : index
    %get3A_98 = arith.constant 0 : index
    %get3A_99 = arith.constant 0 : index
    %get3A_100 = vector.load %arg7[%get3A_97, %get3A_98, %get3A_99] : memref<3x1x128xf32, #tpu.memory_space<vmem>>, vector<1x1x128xf32>
    %get3A_101 = vector.shape_cast %get3A_100 : vector<1x1x128xf32> to vector<1x128xf32>
    %add3A_102 = vector.broadcast %get3A_101 : vector<1x128xf32> to vector<1000x128xf32>
    %add3A_103 = arith.addf %dot_general3A_96, %add3A_102 : vector<1000x128xf32>
    %add3A_104 = arith.addf %add3A_55, %add3A_103 : vector<1000x128xf32>
    %max3A_105 = arith.constant 0.000000e+00 : f32
    %max3A_106 = vector.broadcast %max3A_105 : f32 to vector<1000x128xf32>
    %max3A_107 = arith.maximumf %add3A_104, %max3A_106 : vector<1000x128xf32>
    %abs3A_108 = math.absf %add3A_104 : vector<1000x128xf32>
    %neg3A_109 = arith.constant 0.000000e+00 : f32
    %neg3A_110 = vector.broadcast %neg3A_109 : f32 to vector<1000x128xf32>
    %neg3A_111 = arith.subf %neg3A_110, %abs3A_108 : vector<1000x128xf32>
    %exp3A_112 = math.exp %neg3A_111 : vector<1000x128xf32>
    %log1p3A_113 = math.log1p %exp3A_112 : vector<1000x128xf32>
    %add3A_114 = arith.addf %max3A_107, %log1p3A_113 : vector<1000x128xf32>
    %get3A_115 = arith.constant 2 : index
    %get3A_116 = arith.constant 0 : index
    %get3A_117 = arith.constant 0 : index
    %get3A_118 = vector.load %arg4[%get3A_115, %get3A_116, %get3A_117] : memref<3x128x128xf32, #tpu.memory_space<vmem>>, vector<1x128x128xf32>
    %get3A_119 = vector.shape_cast %get3A_118 : vector<1x128x128xf32> to vector<128x128xf32>
    %dot_general3A_120 = arith.constant dense<0.000000e+00> : vector<1000x128xf32>
    %dot_general3A_121 = tpu.matmul %add3A_114, %get3A_119, %dot_general3A_120 {dimension_numbers = #tpu.dot_dimension_numbers<[1], [0], [0], [1], [0, 0, 1, 1], [], []>, transpose_lhs_hint = false} : vector<1000x128xf32>, vector<128x128xf32>, vector<1000x128xf32> -> vector<1000x128xf32>
    %get3A_122 = arith.constant 2 : index
    %get3A_123 = arith.constant 0 : index
    %get3A_124 = arith.constant 0 : index
    %get3A_125 = vector.load %arg5[%get3A_122, %get3A_123, %get3A_124] : memref<3x1x128xf32, #tpu.memory_space<vmem>>, vector<1x1x128xf32>
    %get3A_126 = vector.shape_cast %get3A_125 : vector<1x1x128xf32> to vector<1x128xf32>
    %add3A_127 = vector.broadcast %get3A_126 : vector<1x128xf32> to vector<1000x128xf32>
    %add3A_128 = arith.addf %dot_general3A_121, %add3A_127 : vector<1000x128xf32>
    %max3A_129 = arith.constant 0.000000e+00 : f32
    %max3A_130 = vector.broadcast %max3A_129 : f32 to vector<1000x128xf32>
    %max3A_131 = arith.maximumf %add3A_128, %max3A_130 : vector<1000x128xf32>
    %abs3A_132 = math.absf %add3A_128 : vector<1000x128xf32>
    %neg3A_133 = arith.constant 0.000000e+00 : f32
    %neg3A_134 = vector.broadcast %neg3A_133 : f32 to vector<1000x128xf32>
    %neg3A_135 = arith.subf %neg3A_134, %abs3A_132 : vector<1000x128xf32>
    %exp3A_136 = math.exp %neg3A_135 : vector<1000x128xf32>
    %log1p3A_137 = math.log1p %exp3A_136 : vector<1000x128xf32>
    %add3A_138 = arith.addf %max3A_131, %log1p3A_137 : vector<1000x128xf32>
    %get3A_139 = arith.constant 2 : index
    %get3A_140 = arith.constant 0 : index
    %get3A_141 = arith.constant 0 : index
    %get3A_142 = vector.load %arg6[%get3A_139, %get3A_140, %get3A_141] : memref<3x128x128xf32, #tpu.memory_space<vmem>>, vector<1x128x128xf32>
    %get3A_143 = vector.shape_cast %get3A_142 : vector<1x128x128xf32> to vector<128x128xf32>
    %dot_general3A_144 = arith.constant dense<0.000000e+00> : vector<1000x128xf32>
    %dot_general3A_145 = tpu.matmul %add3A_138, %get3A_143, %dot_general3A_144 {dimension_numbers = #tpu.dot_dimension_numbers<[1], [0], [0], [1], [0, 0, 1, 1], [], []>, transpose_lhs_hint = false} : vector<1000x128xf32>, vector<128x128xf32>, vector<1000x128xf32> -> vector<1000x128xf32>
    %get3A_146 = arith.constant 2 : index
    %get3A_147 = arith.constant 0 : index
    %get3A_148 = arith.constant 0 : index
    %get3A_149 = vector.load %arg7[%get3A_146, %get3A_147, %get3A_148] : memref<3x1x128xf32, #tpu.memory_space<vmem>>, vector<1x1x128xf32>
    %get3A_150 = vector.shape_cast %get3A_149 : vector<1x1x128xf32> to vector<1x128xf32>
    %add3A_151 = vector.broadcast %get3A_150 : vector<1x128xf32> to vector<1000x128xf32>
    %add3A_152 = arith.addf %dot_general3A_145, %add3A_151 : vector<1000x128xf32>
    %add3A_153 = arith.addf %add3A_104, %add3A_152 : vector<1000x128xf32>
    %max3A_154 = arith.constant 0.000000e+00 : f32
    %max3A_155 = vector.broadcast %max3A_154 : f32 to vector<1000x128xf32>
    %max3A_156 = arith.maximumf %add3A_153, %max3A_155 : vector<1000x128xf32>
    %abs3A_157 = math.absf %add3A_153 : vector<1000x128xf32>
    %neg3A_158 = arith.constant 0.000000e+00 : f32
    %neg3A_159 = vector.broadcast %neg3A_158 : f32 to vector<1000x128xf32>
    %neg3A_160 = arith.subf %neg3A_159, %abs3A_157 : vector<1000x128xf32>
    %exp3A_161 = math.exp %neg3A_160 : vector<1000x128xf32>
    %log1p3A_162 = math.log1p %exp3A_161 : vector<1000x128xf32>
    %add3A_163 = arith.addf %max3A_156, %log1p3A_162 : vector<1000x128xf32>
    %get3A_164 = arith.constant 0 : index
    %get3A_165 = arith.constant 0 : index
    %get3A_166 = vector.load %arg8[%get3A_164, %get3A_165] : memref<1x128xf32, #tpu.memory_space<vmem>>, vector<1x128xf32>
    %get3A_167 = arith.constant 0 : index
    %get3A_168 = arith.constant 0 : index
    %get3A_169 = vector.load %arg3[%get3A_167, %get3A_168] : memref<1000x128xf32, #tpu.memory_space<vmem>>, vector<1000x128xf32>
    %mul3A = vector.broadcast %get3A_166 : vector<1x128xf32> to vector<1000x128xf32>
    %mul3A_170 = arith.mulf %mul3A, %get3A_169 : vector<1000x128xf32>
    %get3A_171 = arith.constant 0 : index
    %get3A_172 = arith.constant 0 : index
    %get3A_173 = vector.load %arg9[%get3A_171, %get3A_172] : memref<128x128xf32, #tpu.memory_space<vmem>>, vector<128x128xf32>
    %dot_general3A_174 = arith.constant dense<0.000000e+00> : vector<1000x128xf32>
    %dot_general3A_175 = tpu.matmul %add3A_163, %get3A_173, %dot_general3A_174 {dimension_numbers = #tpu.dot_dimension_numbers<[1], [0], [0], [1], [0, 0, 1, 1], [], []>, transpose_lhs_hint = false} : vector<1000x128xf32>, vector<128x128xf32>, vector<1000x128xf32> -> vector<1000x128xf32>
    %get3A_176 = arith.constant 0 : index
    %get3A_177 = arith.constant 0 : index
    %get3A_178 = vector.load %arg10[%get3A_176, %get3A_177] : memref<1x128xf32, #tpu.memory_space<vmem>>, vector<1x128xf32>
    %add3A_179 = vector.broadcast %get3A_178 : vector<1x128xf32> to vector<1000x128xf32>
    %add3A_180 = arith.addf %dot_general3A_175, %add3A_179 : vector<1000x128xf32>
    %add3A_181 = arith.addf %mul3A_170, %add3A_180 : vector<1000x128xf32>
    %swap3A = arith.constant 0 : index
    %swap3A_182 = arith.constant 0 : index
    %swap3A_183 = vector.load %arg17[%swap3A, %swap3A_182] : memref<1000x128xf32, #tpu.memory_space<vmem>>, vector<1000x128xf32>
    tpu.vector_store %arg17[%swap3A, %swap3A_182], %add3A_181 {strides = array<i32>} : memref<1000x128xf32, #tpu.memory_space<vmem>>, vector<1000x128xf32>,
    %max3A_184 = arith.constant 0.000000e+00 : f32
    %max3A_185 = vector.broadcast %max3A_184 : f32 to vector<1000x128xf32>
    %max3A_186 = arith.maximumf %add3A_181, %max3A_185 : vector<1000x128xf32>
    %abs3A_187 = math.absf %add3A_181 : vector<1000x128xf32>
    %neg3A_188 = arith.constant 0.000000e+00 : f32
    %neg3A_189 = vector.broadcast %neg3A_188 : f32 to vector<1000x128xf32>
    %neg3A_190 = arith.subf %neg3A_189, %abs3A_187 : vector<1000x128xf32>
    %exp3A_191 = math.exp %neg3A_190 : vector<1000x128xf32>
    %log1p3A_192 = math.log1p %exp3A_191 : vector<1000x128xf32>
    %add3A_193 = arith.addf %max3A_186, %log1p3A_192 : vector<1000x128xf32>
    %get3A_194 = arith.constant 0 : index
    %get3A_195 = arith.constant 0 : index
    %get3A_196 = arith.constant 0 : index
    %get3A_197 = vector.load %arg11[%get3A_194, %get3A_195, %get3A_196] : memref<2x128x128xf32, #tpu.memory_space<vmem>>, vector<1x128x128xf32>
    %get3A_198 = vector.shape_cast %get3A_197 : vector<1x128x128xf32> to vector<128x128xf32>
    %dot_general3A_199 = arith.constant dense<0.000000e+00> : vector<1000x128xf32>
    %dot_general3A_200 = tpu.matmul %add3A_193, %get3A_198, %dot_general3A_199 {dimension_numbers = #tpu.dot_dimension_numbers<[1], [0], [0], [1], [0, 0, 1, 1], [], []>, transpose_lhs_hint = false} : vector<1000x128xf32>, vector<128x128xf32>, vector<1000x128xf32> -> vector<1000x128xf32>
    %get3A_201 = arith.constant 0 : index
    %get3A_202 = arith.constant 0 : index
    %get3A_203 = arith.constant 0 : index
    %get3A_204 = vector.load %arg12[%get3A_201, %get3A_202, %get3A_203] : memref<2x1x128xf32, #tpu.memory_space<vmem>>, vector<1x1x128xf32>
    %get3A_205 = vector.shape_cast %get3A_204 : vector<1x1x128xf32> to vector<1x128xf32>
    %add3A_206 = vector.broadcast %get3A_205 : vector<1x128xf32> to vector<1000x128xf32>
    %add3A_207 = arith.addf %dot_general3A_200, %add3A_206 : vector<1000x128xf32>
    %max3A_208 = arith.constant 0.000000e+00 : f32
    %max3A_209 = vector.broadcast %max3A_208 : f32 to vector<1000x128xf32>
    %max3A_210 = arith.maximumf %add3A_207, %max3A_209 : vector<1000x128xf32>
    %abs3A_211 = math.absf %add3A_207 : vector<1000x128xf32>
    %neg3A_212 = arith.constant 0.000000e+00 : f32
    %neg3A_213 = vector.broadcast %neg3A_212 : f32 to vector<1000x128xf32>
    %neg3A_214 = arith.subf %neg3A_213, %abs3A_211 : vector<1000x128xf32>
    %exp3A_215 = math.exp %neg3A_214 : vector<1000x128xf32>
    %log1p3A_216 = math.log1p %exp3A_215 : vector<1000x128xf32>
    %add3A_217 = arith.addf %max3A_210, %log1p3A_216 : vector<1000x128xf32>
    %get3A_218 = arith.constant 0 : index
    %get3A_219 = arith.constant 0 : index
    %get3A_220 = arith.constant 0 : index
    %get3A_221 = vector.load %arg13[%get3A_218, %get3A_219, %get3A_220] : memref<2x128x128xf32, #tpu.memory_space<vmem>>, vector<1x128x128xf32>
    %get3A_222 = vector.shape_cast %get3A_221 : vector<1x128x128xf32> to vector<128x128xf32>
    %dot_general3A_223 = arith.constant dense<0.000000e+00> : vector<1000x128xf32>
    %dot_general3A_224 = tpu.matmul %add3A_217, %get3A_222, %dot_general3A_223 {dimension_numbers = #tpu.dot_dimension_numbers<[1], [0], [0], [1], [0, 0, 1, 1], [], []>, transpose_lhs_hint = false} : vector<1000x128xf32>, vector<128x128xf32>, vector<1000x128xf32> -> vector<1000x128xf32>
    %get3A_225 = arith.constant 0 : index
    %get3A_226 = arith.constant 0 : index
    %get3A_227 = arith.constant 0 : index
    %get3A_228 = vector.load %arg14[%get3A_225, %get3A_226, %get3A_227] : memref<2x1x128xf32, #tpu.memory_space<vmem>>, vector<1x1x128xf32>
    %get3A_229 = vector.shape_cast %get3A_228 : vector<1x1x128xf32> to vector<1x128xf32>
    %add3A_230 = vector.broadcast %get3A_229 : vector<1x128xf32> to vector<1000x128xf32>
    %add3A_231 = arith.addf %dot_general3A_224, %add3A_230 : vector<1000x128xf32>
    %add3A_232 = arith.addf %add3A_181, %add3A_231 : vector<1000x128xf32>
    %max3A_233 = arith.constant 0.000000e+00 : f32
    %max3A_234 = vector.broadcast %max3A_233 : f32 to vector<1000x128xf32>
    %max3A_235 = arith.maximumf %add3A_232, %max3A_234 : vector<1000x128xf32>
    %abs3A_236 = math.absf %add3A_232 : vector<1000x128xf32>
    %neg3A_237 = arith.constant 0.000000e+00 : f32
    %neg3A_238 = vector.broadcast %neg3A_237 : f32 to vector<1000x128xf32>
    %neg3A_239 = arith.subf %neg3A_238, %abs3A_236 : vector<1000x128xf32>
    %exp3A_240 = math.exp %neg3A_239 : vector<1000x128xf32>
    %log1p3A_241 = math.log1p %exp3A_240 : vector<1000x128xf32>
    %add3A_242 = arith.addf %max3A_235, %log1p3A_241 : vector<1000x128xf32>
    %get3A_243 = arith.constant 1 : index
    %get3A_244 = arith.constant 0 : index
    %get3A_245 = arith.constant 0 : index
    %get3A_246 = vector.load %arg11[%get3A_243, %get3A_244, %get3A_245] : memref<2x128x128xf32, #tpu.memory_space<vmem>>, vector<1x128x128xf32>
    %get3A_247 = vector.shape_cast %get3A_246 : vector<1x128x128xf32> to vector<128x128xf32>
    %dot_general3A_248 = arith.constant dense<0.000000e+00> : vector<1000x128xf32>
    %dot_general3A_249 = tpu.matmul %add3A_242, %get3A_247, %dot_general3A_248 {dimension_numbers = #tpu.dot_dimension_numbers<[1], [0], [0], [1], [0, 0, 1, 1], [], []>, transpose_lhs_hint = false} : vector<1000x128xf32>, vector<128x128xf32>, vector<1000x128xf32> -> vector<1000x128xf32>
    %get3A_250 = arith.constant 1 : index
    %get3A_251 = arith.constant 0 : index
    %get3A_252 = arith.constant 0 : index
    %get3A_253 = vector.load %arg12[%get3A_250, %get3A_251, %get3A_252] : memref<2x1x128xf32, #tpu.memory_space<vmem>>, vector<1x1x128xf32>
    %get3A_254 = vector.shape_cast %get3A_253 : vector<1x1x128xf32> to vector<1x128xf32>
    %add3A_255 = vector.broadcast %get3A_254 : vector<1x128xf32> to vector<1000x128xf32>
    %add3A_256 = arith.addf %dot_general3A_249, %add3A_255 : vector<1000x128xf32>
    %max3A_257 = arith.constant 0.000000e+00 : f32
    %max3A_258 = vector.broadcast %max3A_257 : f32 to vector<1000x128xf32>
    %max3A_259 = arith.maximumf %add3A_256, %max3A_258 : vector<1000x128xf32>
    %abs3A_260 = math.absf %add3A_256 : vector<1000x128xf32>
    %neg3A_261 = arith.constant 0.000000e+00 : f32
    %neg3A_262 = vector.broadcast %neg3A_261 : f32 to vector<1000x128xf32>
    %neg3A_263 = arith.subf %neg3A_262, %abs3A_260 : vector<1000x128xf32>
    %exp3A_264 = math.exp %neg3A_263 : vector<1000x128xf32>
    %log1p3A_265 = math.log1p %exp3A_264 : vector<1000x128xf32>
    %add3A_266 = arith.addf %max3A_259, %log1p3A_265 : vector<1000x128xf32>
    %get3A_267 = arith.constant 1 : index
    %get3A_268 = arith.constant 0 : index
    %get3A_269 = arith.constant 0 : index
    %get3A_270 = vector.load %arg13[%get3A_267, %get3A_268, %get3A_269] : memref<2x128x128xf32, #tpu.memory_space<vmem>>, vector<1x128x128xf32>
    %get3A_271 = vector.shape_cast %get3A_270 : vector<1x128x128xf32> to vector<128x128xf32>
    %dot_general3A_272 = arith.constant dense<0.000000e+00> : vector<1000x128xf32>
    %dot_general3A_273 = tpu.matmul %add3A_266, %get3A_271, %dot_general3A_272 {dimension_numbers = #tpu.dot_dimension_numbers<[1], [0], [0], [1], [0, 0, 1, 1], [], []>, transpose_lhs_hint = false} : vector<1000x128xf32>, vector<128x128xf32>, vector<1000x128xf32> -> vector<1000x128xf32>
    %get3A_274 = arith.constant 1 : index
    %get3A_275 = arith.constant 0 : index
    %get3A_276 = arith.constant 0 : index
    %get3A_277 = vector.load %arg14[%get3A_274, %get3A_275, %get3A_276] : memref<2x1x128xf32, #tpu.memory_space<vmem>>, vector<1x1x128xf32>
    %get3A_278 = vector.shape_cast %get3A_277 : vector<1x1x128xf32> to vector<1x128xf32>
    %add3A_279 = vector.broadcast %get3A_278 : vector<1x128xf32> to vector<1000x128xf32>
    %add3A_280 = arith.addf %dot_general3A_273, %add3A_279 : vector<1000x128xf32>
    %add3A_281 = arith.addf %add3A_232, %add3A_280 : vector<1000x128xf32>
    %get3A_282 = arith.constant 0 : index
    %get3A_283 = arith.constant 0 : index
    %get3A_284 = vector.load %arg15[%get3A_282, %get3A_283] : memref<128x128xf32, #tpu.memory_space<vmem>>, vector<128x128xf32>
    %dot_general3A_285 = arith.constant dense<0.000000e+00> : vector<1000x128xf32>
    %dot_general3A_286 = tpu.matmul %add3A_281, %get3A_284, %dot_general3A_285 {dimension_numbers = #tpu.dot_dimension_numbers<[1], [0], [0], [1], [0, 0, 1, 1], [], []>, transpose_lhs_hint = false} : vector<1000x128xf32>, vector<128x128xf32>, vector<1000x128xf32> -> vector<1000x128xf32>
    %get3A_287 = arith.constant 0 : index
    %get3A_288 = arith.constant 0 : index
    %get3A_289 = vector.load %arg16[%get3A_287, %get3A_288] : memref<1x128xf32, #tpu.memory_space<vmem>>, vector<1x128xf32>
    %add3A_290 = vector.broadcast %get3A_289 : vector<1x128xf32> to vector<1000x128xf32>
    %add3A_291 = arith.addf %dot_general3A_286, %add3A_290 : vector<1000x128xf32>
    %swap3A_292 = arith.constant 0 : index
    %swap3A_293 = arith.constant 0 : index
    %swap3A_294 = vector.load %arg18[%swap3A_292, %swap3A_293] : memref<1000x128xf32, #tpu.memory_space<vmem>>, vector<1000x128xf32>
    tpu.vector_store %arg18[%swap3A_292, %swap3A_293], %add3A_291 {strides = array<i32>} : memref<1000x128xf32, #tpu.memory_space<vmem>>, vector<1000x128xf32>,
    return
  }
  func.func @transform_0(%arg0: i32) -> (i32, i32) {
    %c0_i32 = arith.constant 0 : i32
    %c0_i32_0 = arith.constant 0 : i32
    return %arg0, %c0_i32 : i32, i32
  }
  func.func @transform_1(%arg0: i32) -> (i32, i32, i32) {
    %c0_i32 = arith.constant 0 : i32
    %c0_i32_0 = arith.constant 0 : i32
    %c0_i32_1 = arith.constant 0 : i32
    return %c0_i32, %arg0, %c0_i32_0 : i32, i32, i32
  }
  func.func @transform_2(%arg0: i32) -> (i32, i32) {
    %c0_i32 = arith.constant 0 : i32
    %c0_i32_0 = arith.constant 0 : i32
    return %arg0, %c0_i32 : i32, i32
  }
  func.func @transform_3(%arg0: i32) -> (i32, i32, i32) {
    %c0_i32 = arith.constant 0 : i32
    %c0_i32_0 = arith.constant 0 : i32
    %c0_i32_1 = arith.constant 0 : i32
    %c0_i32_2 = arith.constant 0 : i32
    return %c0_i32, %c0_i32_0, %c0_i32_1 : i32, i32, i32
  }
  func.func @transform_4(%arg0: i32) -> (i32, i32, i32) {
    %c0_i32 = arith.constant 0 : i32
    %c0_i32_0 = arith.constant 0 : i32
    %c0_i32_1 = arith.constant 0 : i32
    %c0_i32_2 = arith.constant 0 : i32
    return %c0_i32, %c0_i32_0, %c0_i32_1 : i32, i32, i32
  }
  func.func @transform_5(%arg0: i32) -> (i32, i32, i32) {
    %c0_i32 = arith.constant 0 : i32
    %c0_i32_0 = arith.constant 0 : i32
    %c0_i32_1 = arith.constant 0 : i32
    %c0_i32_2 = arith.constant 0 : i32
    return %c0_i32, %c0_i32_0, %c0_i32_1 : i32, i32, i32
  }
  func.func @transform_6(%arg0: i32) -> (i32, i32, i32) {
    %c0_i32 = arith.constant 0 : i32
    %c0_i32_0 = arith.constant 0 : i32
    %c0_i32_1 = arith.constant 0 : i32
    %c0_i32_2 = arith.constant 0 : i32
    return %c0_i32, %c0_i32_0, %c0_i32_1 : i32, i32, i32
  }
  func.func @transform_7(%arg0: i32) -> (i32, i32) {
    %c0_i32 = arith.constant 0 : i32
    %c0_i32_0 = arith.constant 0 : i32
    %c0_i32_1 = arith.constant 0 : i32
    return %c0_i32, %c0_i32_0 : i32, i32
  }
  func.func @transform_8(%arg0: i32) -> (i32, i32) {
    %c0_i32 = arith.constant 0 : i32
    %c0_i32_0 = arith.constant 0 : i32
    %c0_i32_1 = arith.constant 0 : i32
    return %c0_i32, %c0_i32_0 : i32, i32
  }
  func.func @transform_9(%arg0: i32) -> (i32, i32) {
    %c0_i32 = arith.constant 0 : i32
    %c0_i32_0 = arith.constant 0 : i32
    %c0_i32_1 = arith.constant 0 : i32
    return %c0_i32, %c0_i32_0 : i32, i32
  }
  func.func @transform_10(%arg0: i32) -> (i32, i32, i32) {
    %c0_i32 = arith.constant 0 : i32
    %c0_i32_0 = arith.constant 0 : i32
    %c0_i32_1 = arith.constant 0 : i32
    %c0_i32_2 = arith.constant 0 : i32
    return %c0_i32, %c0_i32_0, %c0_i32_1 : i32, i32, i32
  }
  func.func @transform_11(%arg0: i32) -> (i32, i32, i32) {
    %c0_i32 = arith.constant 0 : i32
    %c0_i32_0 = arith.constant 0 : i32
    %c0_i32_1 = arith.constant 0 : i32
    %c0_i32_2 = arith.constant 0 : i32
    return %c0_i32, %c0_i32_0, %c0_i32_1 : i32, i32, i32
  }
  func.func @transform_12(%arg0: i32) -> (i32, i32, i32) {
    %c0_i32 = arith.constant 0 : i32
    %c0_i32_0 = arith.constant 0 : i32
    %c0_i32_1 = arith.constant 0 : i32
    %c0_i32_2 = arith.constant 0 : i32
    return %c0_i32, %c0_i32_0, %c0_i32_1 : i32, i32, i32
  }
  func.func @transform_13(%arg0: i32) -> (i32, i32, i32) {
    %c0_i32 = arith.constant 0 : i32
    %c0_i32_0 = arith.constant 0 : i32
    %c0_i32_1 = arith.constant 0 : i32
    %c0_i32_2 = arith.constant 0 : i32
    return %c0_i32, %c0_i32_0, %c0_i32_1 : i32, i32, i32
  }
  func.func @transform_14(%arg0: i32) -> (i32, i32) {
    %c0_i32 = arith.constant 0 : i32
    %c0_i32_0 = arith.constant 0 : i32
    %c0_i32_1 = arith.constant 0 : i32
    return %c0_i32, %c0_i32_0 : i32, i32
  }
  func.func @transform_15(%arg0: i32) -> (i32, i32) {
    %c0_i32 = arith.constant 0 : i32
    %c0_i32_0 = arith.constant 0 : i32
    %c0_i32_1 = arith.constant 0 : i32
    return %c0_i32, %c0_i32_0 : i32, i32
  }
  func.func @transform_16(%arg0: i32) -> (i32, i32) {
    %c0_i32 = arith.constant 0 : i32
    %c0_i32_0 = arith.constant 0 : i32
    return %arg0, %c0_i32 : i32, i32
  }
  func.func @transform_17(%arg0: i32) -> (i32, i32) {
    %c0_i32 = arith.constant 0 : i32
    %c0_i32_0 = arith.constant 0 : i32
    return %arg0, %c0_i32 : i32, i32
  }
}

</mosaic_0001>

<sc_bundles>
// kernel: kernel.6.cloned.1.call-start
scs
__scs_entry_jumppad:
0x0: {  	(pc) =	sbr.rel $0x88, $3  }
0x1: {  	(tag) =	ssettag $0x0;
	lr =	simm.s32 $0x1  }
0x2: {  	[smem:$0x3F8C] =	sst lr;
	_ =	strace $0xD0000000  }
0x3: {  	_ = 	snop  }
0x4: {  	_ = 	snop  }
0x5: {  	_ = 	snop  }
0x6: {  	_ = 	snop  }
0x7: {  	_ = 	snop  }
__scs_overlays_trampoline_lowered:
0x8: {  	[smem:$0x3F9B] =	sst s0  }
0x9: {  	[smem:$0x3F9C] =	sst s1  }
0xa: {  	[smem:$0x3F9D] =	sst s2  }
0xb: {  	[smem:$0x3F9E] =	sst s3  }
0xc: {  	[smem:$0x3F9F] =	sst s4  }
0xd: {  	[smem:$0x3FA0] =	sst s5  }
0xe: {  	[smem:$0x3FA1] =	sst s6  }
0xf: {  	[smem:$0x3FA2] =	sst s7  }
0x10: {  	[smem:$0x3FA3] =	sst s8  }
0x11: {  	[smem:$0x3FA4] =	sst s9;
	s0 =	simm.s32 @!p0 $0x0  }
0x12: {  	s1 =	sld [smem:$0x3F8A];
	s0 =	simm.s32 @p0 $0x1  }
0x13: {  	[smem:$0x3FA5] =	sst s0;
	s0 =	simm.s32 @!p1 $0x0  }
0x14: {  	s2 =	sld [smem:$0x3F89];
	s0 =	simm.s32 @p1 $0x1  }
0x15: {  	[smem:$0x3FA6] =	sst s0;
	s0 =	simm.s32 @!p2 $0x0  }
0x16: {  	s3 =	sld [smem:$0x3FDB];
	s0 =	simm.s32 @p2 $0x1  }
0x17: {  	s4 =	simm.s32 $0x1BF5;
	[smem:$0x3FA8] =	sst s0  }
0x18: {  	s0 =	sld [smem:$0x3F8B];
	_ =	swait.ge [sflag:s4], $0x0  }
0x19: {  	s7 =	sld [smem:$0x3F8C]  }
0x1a: {  	s8 =	sadd.s32 $0xFFFFE003, lr  }
0x1b: {  	s9 =	sadd.s32 $0xFFFFFEF7, lr;
	s5 =	simm.s32 $0xFFFFFFFF;
	p2 =	slt.u32 s8, $0xFFFFF086  }
0x1c: {  	p1 =	slt.u32 s9, $0xF7A;
	s5 =	simm.s32 @!p2 $0x0  }
0x1d: {  	s5 =	simm.s32 @p1 $0x1;
	p0 =	seq.s32 s7, s2  }
0x1e: {  	s7 =	smul.u32 @!p0 $0xF7A, s2;
	p2 =	seq.s32 @!p0 s5, $0x0  }
0x1f: {  	s9 =	smul.u32 $0xF7A, s1;
	s8 =	simm.s32 @!p0 $0x1BF5;
	p2 =	por !p2, p0  }
0x20: {  	[sflag:s8] =	ssyncset.s32 @!p0 $0xFFFFF086;
	s6 =	sadd.s32 @!p0 s3, s7;
	s7 =	simm.s32 @!p0 $0x108  }
0x21: {  	s3 =	sadd.s32 s3, s9;
	s6 =	sadd.s32 @!p0 $0x88, s6;
	s7 =	simm.s32 @p2 $0x1082  }
0x22: {  	[simem:s7], [sflag:s8] =	dma.local @!p0 [hbm:s6], $0xF7A  }
0x23: {  	s9 =	sor.u32 $0xD0000000, s2;
	s6 =	simm.s32 $0x108;
	_ =	swait.ge @!p0 [sflag:s8], $0x0  }
0x24: {  	s3 =	sadd.s32 $0x88, s3;
	s6 =	simm.s32 @!p1 $0x1082;
	[sflag:s4] =	ssyncset.s32 $0xFFFFF086  }
0x25: {  	[simem:s6], [sflag:s4] =	dma.local [hbm:s3], $0xF7A  }
0x26: {  	[smem:$0x3F8C] =	sst s1;
	(tag) =	ssettag s2;
	_ =	strace s9  }
0x27: {  	s1 =	sld [smem:$0x3F9C]  }
0x28: {  	s2 =	sld [smem:$0x3F9D]  }
0x29: {  	s4 =	sld [smem:$0x3F9F]  }
0x2a: {  	p0 =	seq.s32 s5, $0x0;
	s5 =	sld [smem:$0x3FA0]  }
0x2b: {  	s6 =	sld [smem:$0x3FA1]  }
0x2c: {  	s7 =	sld [smem:$0x3FA2]  }
0x2d: {  	s3 =	simm.s32 $0x108;
	s8 =	sld [smem:$0x3FA3]  }
0x2e: {  	s3 =	simm.s32 @!p0 $0x1082;
	s9 =	sld [smem:$0x3FA4]  }
0x2f: {  	lr =	sadd.s32 s0, s3;
	s0 =	sld [smem:$0x3F9B]  }
0x30: {  	s3 =	sld [smem:$0x3F9E]  }
0x31: {  	[smem:$0x3FA7] =	sst s10  }
0x32: {  	s10 =	sld [smem:$0x3FA5];
	_ =	sdelay $0x3  }
0x33: {  	p0 =	seq.s32 s10, $0x1;
	s10 =	sld [smem:$0x3FA7];
	_ =	sdelay $0x3  }
0x34: {  	[smem:$0x3FA7] =	sst s10  }
0x35: {  	s10 =	sld [smem:$0x3FA6];
	_ =	sdelay $0x3  }
0x36: {  	p1 =	seq.s32 s10, $0x1;
	s10 =	sld [smem:$0x3FA7];
	_ =	sdelay $0x3  }
0x37: {  	[smem:$0x3FA7] =	sst s10  }
0x38: {  	s10 =	sld [smem:$0x3FA8]  }
0x39: {  	_ = 	snop;
	(pc) =	sbr.ind lr, $3  }
0x3a: {  	_ = 	snop  }
0x3b: {  	_ = 	snop  }
0x3c: {  	p2 =	seq.s32 s10, $0x1;
	s10 =	sld [smem:$0x3FA7]  }
0x3d: {  	_ =	shalt  }
0x3e: {  	_ =	shalt  }
0x3f: {  	_ =	shalt  }
0x40: {  	_ =	shalt  }
0x41: {  	_ =	shalt  }
0x42: {  	_ =	shalt  }
0x43: {  	_ =	shalt  }
0x44: {  	_ =	shalt  }
0x45: {  	_ =	shalt  }
0x46: {  	_ =	shalt  }
0x47: {  	_ =	shalt  }
0x48: {  	_ =	shalt  }
0x49: {  	_ =	shalt  }
0x4a: {  	_ =	shalt  }
0x4b: {  	_ =	shalt  }
0x4c: {  	_ =	shalt  }
0x4d: {  	_ =	shalt  }
0x4e: {  	_ =	shalt  }
0x4f: {  	_ =	shalt  }
0x50: {  	_ =	shalt  }
0x51: {  	_ =	shalt  }
0x52: {  	_ =	shalt  }
0x53: {  	_ =	shalt  }
0x54: {  	_ =	shalt  }
0x55: {  	_ =	shalt  }
0x56: {  	_ =	shalt  }
0x57: {  	_ =	shalt  }
0x58: {  	_ =	shalt  }
0x59: {  	_ =	shalt  }
0x5a: {  	_ =	shalt  }
0x5b: {  	_ =	shalt  }
0x5c: {  	_ =	shalt  }
0x5d: {  	_ =	shalt  }
0x5e: {  	_ =	shalt  }
0x5f: {  	_ =	shalt  }
0x60: {  	_ =	shalt  }
0x61: {  	_ =	shalt  }
0x62: {  	_ =	shalt  }
0x63: {  	_ =	shalt  }
0x64: {  	_ =	shalt  }
0x65: {  	_ =	shalt  }
0x66: {  	_ =	shalt  }
0x67: {  	_ =	shalt  }
0x68: {  	_ =	shalt  }
0x69: {  	_ =	shalt  }
0x6a: {  	_ =	shalt  }
0x6b: {  	_ =	shalt  }
0x6c: {  	_ =	shalt  }
0x6d: {  	_ =	shalt  }
0x6e: {  	_ =	shalt  }
0x6f: {  	_ =	shalt  }
0x70: {  	_ =	shalt  }
0x71: {  	_ =	shalt  }
0x72: {  	_ =	shalt  }
0x73: {  	_ =	shalt  }
0x74: {  	_ =	shalt  }
0x75: {  	_ =	shalt  }
0x76: {  	_ =	shalt  }
0x77: {  	_ =	shalt  }
0x78: {  	_ =	shalt  }
0x79: {  	_ =	shalt  }
0x7a: {  	_ =	shalt  }
0x7b: {  	_ =	shalt  }
0x7c: {  	_ =	shalt  }
0x7d: {  	_ =	shalt  }
0x7e: {  	_ =	shalt  }
0x7f: {  	_ =	shalt  }
0x80: {  	_ =	shalt  }
0x81: {  	_ =	shalt  }
0x82: {  	_ =	shalt  }
0x83: {  	_ =	shalt  }
0x84: {  	_ =	shalt  }
0x85: {  	_ =	shalt  }
0x86: {  	_ =	shalt  }
0x87: {  	_ =	shalt  }
.Lfunc_end0:
.L_simem_size_0:
called_computation_lowered:
.L_overlay_start_0:
0x88: {  	s2 =	sld [smem:$0x3FD9]  }
0x89: {  	s3 =	sld [smem:$0x3FFE];
	_ =	sdelay $0x1  }
0x8a: {  	s1 =	srdreg.scid  }
0x8b: {  	s0 =	sand.u32 $0x1, s1  }
0x8c: {  	s16 =	sshll.u32 s0, $0xA;
	s2 =	sadd.s32 s3, s2  }
0x8d: {  	s2 =	sadd.s32 s2, s16  }
0x8e: {  	[smem:$0x3FB3] =	sst s2  }
0x8f: {  	_ = 	snop  }
0x90: {  	(tm) =	ssettm $0x1  }
0x91: {  	s17 =	sld [smem:$0x3FFB];
	_ =	sdelay $0x3  }
0x92: {  	_ =	strace s17  }
0x93: {  	s2 =	sld [smem:$0x3FFC];
	_ =	sdelay $0x3  }
0x94: {  	_ =	strace s2  }
0x95: {  	s2 =	sld [smem:$0x3FFD];
	_ =	sdelay $0x3  }
0x96: {  	_ =	strace s2  }
0x97: {  	_ =	strace $0x8FFFFFFF  }
0x98: {  	s18 =	sld [smem:$0x3FDB];
	_ =	sdelay $0x1  }
0x99: {  	s19 =	simm.s32 $_scs_section_size  }
0x9a: {  	s4 =	simm.s32 $_size__tile_overlayer_lowered;
	s5 =	simm.s32 $_tile_overlayer_lowered  }
0x9b: {  	s22 =	simm.s32 $0x1BFF;
	s21 =	sshll.u32 s5, $0x1;
	s2 =	sadd.s32 s19, s18  }
0x9c: {  	s6 =	simm.s32 $0x0;
	s20 =	sshll.u32 s4, $0x1;
	s4 =	sadd.s32 s21, s2  }
0x9d: {  	[timem:s6], [sflag:s22] =	dma.local [hbm:s4], s20  }
0x9e: {  	_ =	swait.ge [sflag:s22], s20  }
0x9f: {  	s3 =	ssub.s32 $0x0, s20;
	[sflag:s22] =	ssyncset.done $0x0  }
0xa0: {  	[sflag:s22] =	ssyncadd.s32 s3;
	_ =	sdelay $0x1  }
0xa1: {  	s23 =	simm.s32 $0x1B8B  }
0xa2: {  	_ =	swait.ge [sflag:s23], $0x1  }
0xa3: {  	[sflag:s23] =	ssyncset.done $0x0  }
0xa4: {  	s25 =	simm.s32 $0x1B8E;
	s24 =	sld [smem:$0x3FFE];
	[sflag:s23] =	ssyncadd.s32 $0xFFFFFFFF  }
0xa5: {  	s26 =	simm.s32 $execute0_lowered;
	[smem:$0x3FD2] =	sst s25  }
0xa6: {  	s4 =	sshll.u32 s26, $0x1;
	_ =	strace $0x80000046;
	[dreg:$0x1] =	wrdreg $0xFFFFFFFF  }
0xa7: {  	s28 =	simm.s32 $_size_execute0_lowered;
	s2 =	sadd.s32 s2, s4;
	[dreg:$0x0] =	wrdreg $0x0  }
0xa8: {  	s4 =	sshll.u32 s28, $0x1;
	[dreg:$0x2] =	wrdreg s2  }
0xa9: {  	[dreg:$0x3] =	wrdreg s4  }
0xaa: {  	[dreg:$0x4] =	wrdreg $0xC0  }
0xab: {  	_ =	task [dreg:s6], $0x5FFFF  }
0xac: {  	[dreg:$0x1] =	wrdreg $0xFFFFFFFF  }
0xad: {  	[dreg:$0x0] =	wrdreg $0x60  }
0xae: {  	[dreg:$0x2] =	wrdreg s24  }
0xaf: {  	[dreg:$0x3] =	wrdreg $0x82000  }
0xb0: {  	[dreg:$0x4] =	wrdreg $0x9  }
0xb1: {  	_ =	task.clear_ibuf [dreg:s6], $0x5FFFF;
	_ =	strace $0x90000046  }
0xb2: {  	s29 =	simm.s32 $0x9;
	_ =	strace $0x80000048  }
0xb3: {  	_ =	swait.ge [sflag:s29], $0x1  }
0xb4: {  	[sflag:s29] =	ssyncadd.s32 $0xFFFFFFFF  }
0xb5: {  	_ =	strace $0x90000048  }
0xb6: {  	_ =	sfence  }
0xb7: {  	s30 =	sld [smem:$0x0];
	_ =	sdelay $0x2  }
0xb8: {  	s31 =	sshll.u32 s1, $0xD;
	s1 =	sshrl.u32 s1, $0x2  }
0xb9: {  	s3 =	sand.u32 $0x4000, s31;
	s1 =	sadd.s32 s1, s30  }
0xba: {  	s0 =	sor.u32 s3, s0;
	s1 =	sshll.u32 s1, $0x11  }
0xbb: {  	s0 =	sor.u32 s1, s0  }
0xbc: {  	s0 =	sadd.s32 $0x8F2B, s0  }
0xbd: {  	[sflag:s0] =	ssyncadd.remote.s32 $0x1  }
0xbe: {  	_ =	sfence.sel $0xFFFF  }
0xbf: {  	[dreg:$0x0] =	wrdreg $0xFFFFFFFF;
	(pc) =	sbr.abs _section_cstart, $3  }
0xc0: {  	[dreg:$0x1] =	wrdreg $0xFFFFFFFF  }
0xc1: {  	_ =	task.clear_ibuf [dreg:s6], $0x2FFFF;
	_ =	strace $0x9FFFFFFF  }
0xc2: {  	(tm) =	ssettm $0x7FFFFFFF  }
0xc3: {  	_ =	shalt  }
tec
execute0_lowered:
.L_overlay_start_1:
0x0: {  	(tag) =	ssettag $0x1  }
0x1: {  	s0 =	rddreg [dreg:$0x0]  }
0x2: {  	s1 =	rddreg [dreg:$0x1];
	s3 =	simm.s32 $0x0;
	s2 =	srdreg.scid  }
0x3: {  	s11 =	stileid.u32;
	s29 =	simm.s32 $0x4200;
	[smem:$0x7FF] =	sst s3  }
0x4: {  	s2 =	sand.u32 $0x1, s2;
	s8 =	smul.u32 $0x14000, s11;
	s5 =	sadd.s32 $0x4F9800, s0  }
0x5: {  	s4 =	sadd.s32 $0x3800, s0;
	s6 =	sadd.s32 $0x4E5800, s0;
	s9 =	smul.u32 $0x50000, s11  }
0x6: {  	s7 =	smul.u32 $0x140000, s2;
	s10 =	ssub.s32 $0x2, s2;
	s2 =	sshll.u32 s2, $0x4  }
0x7: {  	_ =	strace $0x80000047;
	s13 =	sshrl.u32 s10, $0x1;
	s2 =	sor.u32 s11, s2  }
0x8: {  	s9 =	sshrl.u32 s9, $0x2;
	s8 =	sadd.s32 s8, s7;
	s17 =	smul.u32 $0x2800, s2  }
0x9: {  	s10 =	ssub.s32 s10, s13;
	s2 =	smul.u32 $0x28000, s2;
	s8 =	sshrl.u32 s8, $0x3  }
0xa: {  	s7 =	sadd.s32 $0x4EF800, s0;
	s25 =	smax.u32 s10, $0x1;
	s0 =	sadd.s32 s8, s0  }
0xb: {  	s8 =	sadd.s32 s9, s1;
	s2 =	sadd.s32 s5, s2;
	[dreg:$0x11] =	wrdreg s25  }
0xc: {  	s30 =	simm.s32 $0x7;
	s9 =	sadd.s32 $0x2000, s8;
	[dreg:$0xc] =	wrdreg s2  }
0xd: {  	s31 =	simm.s32 $0x100;
	s14 =	sadd.s32 $0x4000, s8;
	[dreg:$0x3] =	wrdreg s9  }
0xe: {  	s10 =	simm.s32 $0x2200;
	s15 =	sadd.s32 $0x6000, s8;
	[dreg:$0x4] =	wrdreg s14  }
0xf: {  	s21 =	sshrl.u32 s17, $0x3;
	s16 =	sadd.s32 $0x8000, s8;
	[dreg:$0x5] =	wrdreg s15  }
0x10: {  	s12 =	sor.u32 $0x40, s17;
	s18 =	sadd.s32 $0xA000, s8;
	[dreg:$0x6] =	wrdreg s16  }
0x11: {  	s19 =	sadd.s32 $0xC000, s8;
	s20 =	sadd.s32 $0xE000, s8;
	[dreg:$0x7] =	wrdreg s18  }
0x12: {  	s13 =	sadd.s32 s7, s21;
	s11 =	sadd.s32 s6, s21;
	[dreg:$0x8] =	wrdreg s19  }
0x13: {  	s22 =	sshrl.u32 s12, $0x3;
	s24 =	sshll.u32 s12, $0x4;
	[dreg:$0x9] =	wrdreg s20  }
0x14: {  	s0 =	sadd.s32 $0x51C00, s0;
	s26 =	sadd.s32 $0x10000, s8;
	[dreg:$0xa] =	wrdreg s13  }
0x15: {  	s28 =	sadd.s32 $0x12000, s8;
	s12 =	simm.s32 $0x40;
	[dreg:$0xb] =	wrdreg s11  }
0x16: {  	s23 =	sadd.s32 s7, s22;
	s11 =	sadd.s32 s6, s22;
	[dreg:$0x10] =	wrdreg s0  }
0x17: {  	s2 =	sadd.s32 s5, s24;
	s22 =	sor.u32 $0x80, s17;
	[dreg:$0x12] =	wrdreg s26  }
0x18: {  	s0 =	simm.s32 $0x200;
	s9 =	simm.s32 $0x180;
	s13 =	simm.s32 $0x3  }
0x19: {  	s14 =	simm.s32 $0x2;
	s15 =	simm.s32 $0x6200;
	[dreg:$0xd] =	wrdreg s23  }
0x1a: {  	s16 =	simm.s32 $0x4;
	s18 =	simm.s32 $0x6;
	[dreg:$0xe] =	wrdreg s11  }
0x1b: {  	s19 =	simm.s32 $0x0;
	[dreg:$0xf] =	wrdreg s2;
	s23 =	sor.u32 $0xC0, s17  }
0x1c: {  	v0 =	vimm.f32 $0.0e+00;
	s2 =	simm.s32 $0x80;
	s11 =	simm.s32 $0x1;
	s17 =	simm.s32 $0x5  }
.LBB2_1:
0x1d: {  	s20 =	simm.s32 $0x4280  }
0x1e: {  	[tilespmem:s20+$0xFFFFFF80] =	vst v0  }
0x1f: {  	[tilespmem:s20+$0x70] =	vst v0  }
0x20: {  	[tilespmem:s20+$0x60] =	vst v0  }
0x21: {  	[tilespmem:s20+$0x50] =	vst v0  }
0x22: {  	[tilespmem:s20+$0x40] =	vst v0  }
0x23: {  	[tilespmem:s20+$0x30] =	vst v0  }
0x24: {  	[tilespmem:s20+$0x20] =	vst v0  }
0x25: {  	[tilespmem:s20+$0x10] =	vst v0  }
0x26: {  	[tilespmem:s20+$0x0] =	vst v0  }
0x27: {  	[tilespmem:s20+$0xFFFFFFF0] =	vst v0  }
0x28: {  	[tilespmem:s20+$0xFFFFFFE0] =	vst v0  }
0x29: {  	[tilespmem:s20+$0xFFFFFFD0] =	vst v0  }
0x2a: {  	[tilespmem:s20+$0xFFFFFFC0] =	vst v0  }
0x2b: {  	[tilespmem:s20+$0xFFFFFFB0] =	vst v0  }
0x2c: {  	s21 =	simm.s32 $0x0;
	[tilespmem:s20+$0xFFFFFFA0] =	vst v0  }
.LBB2_2:
0x2d: {  	s21 =	sadd.s32 $0x2, s21;
	[tilespmem:s20+$0xFFFFFF90] =	vst v0;
	s20 =	sadd.s32 $0x100, s20  }
0x2e: {  	[tilespmem:s20+$0xFFFFFF80] =	vst v0;
	p0 =	slt.u32 s21, $0x3E  }
0x2f: {  	[tilespmem:s20+$0x70] =	vst v0  }
0x30: {  	[tilespmem:s20+$0x60] =	vst v0  }
0x31: {  	[tilespmem:s20+$0x50] =	vst v0  }
0x32: {  	[tilespmem:s20+$0x40] =	vst v0  }
0x33: {  	[tilespmem:s20+$0x30] =	vst v0  }
0x34: {  	[tilespmem:s20+$0x20] =	vst v0  }
0x35: {  	[tilespmem:s20+$0x10] =	vst v0  }
0x36: {  	[tilespmem:s20+$0x0] =	vst v0  }
0x37: {  	[tilespmem:s20+$0xFFFFFFF0] =	vst v0  }
.Ltmp0:
0x38: {  	[tilespmem:s20+$0xFFFFFFE0] =	vst v0;
	(pc) =	sbr.rel @p0 .LBB2_2-.Ltmp0, $4  }
0x39: {  	[tilespmem:s20+$0xFFFFFFD0] =	vst v0  }
0x3a: {  	[tilespmem:s20+$0xFFFFFFC0] =	vst v0  }
0x3b: {  	[tilespmem:s20+$0xFFFFFFB0] =	vst v0  }
0x3c: {  	[tilespmem:s20+$0xFFFFFFA0] =	vst v0  }
0x3d: {  	[tilespmem:s20+$0xFFFFFF90] =	vst v0  }
0x3e: {  	[spmem:s8] =	stream.linear.scatter [tilespmem:s29], [sflag:$0x7], $0x2000, $0x38;
	[tilespmem:$0x1C200] =	vst v63  }
0x3f: {  	_ =	swait.ge [sflag:s30], $0x2000  }
0x40: {  	[sflag:s30] =	ssyncset.done $0x0  }
0x41: {  	s25 =	rddreg [dreg:$0x3];
	[sflag:s30] =	ssyncadd.s32 $0xFFFFE000  }
0x42: {  	[spmem:s25] =	stream.linear.scatter [tilespmem:s29], [sflag:$0x7], $0x2000, $0x38;
	[tilespmem:$0x1C200] =	vst v63  }
0x43: {  	_ =	swait.ge [sflag:s30], $0x2000  }
0x44: {  	[sflag:s30] =	ssyncset.done $0x0  }
0x45: {  	s26 =	rddreg [dreg:$0x4];
	[sflag:s30] =	ssyncadd.s32 $0xFFFFE000  }
0x46: {  	[spmem:s26] =	stream.linear.scatter [tilespmem:s29], [sflag:$0x7], $0x2000, $0x38;
	[tilespmem:$0x1C200] =	vst v63  }
0x47: {  	_ =	swait.ge [sflag:s30], $0x2000  }
0x48: {  	[sflag:s30] =	ssyncset.done $0x0  }
0x49: {  	s21 =	rddreg [dreg:$0x5];
	[sflag:s30] =	ssyncadd.s32 $0xFFFFE000  }
0x4a: {  	[spmem:s21] =	stream.linear.scatter [tilespmem:s29], [sflag:$0x7], $0x2000, $0x38;
	[tilespmem:$0x1C200] =	vst v63  }
0x4b: {  	_ =	swait.ge [sflag:s30], $0x2000  }
0x4c: {  	[sflag:s30] =	ssyncset.done $0x0  }
0x4d: {  	s24 =	rddreg [dreg:$0x6];
	[sflag:s30] =	ssyncadd.s32 $0xFFFFE000  }
0x4e: {  	[spmem:s24] =	stream.linear.scatter [tilespmem:s29], [sflag:$0x7], $0x2000, $0x38;
	[tilespmem:$0x1C200] =	vst v63  }
0x4f: {  	_ =	swait.ge [sflag:s30], $0x2000  }
0x50: {  	[sflag:s30] =	ssyncset.done $0x0  }
0x51: {  	s25 =	rddreg [dreg:$0x7];
	[sflag:s30] =	ssyncadd.s32 $0xFFFFE000  }
0x52: {  	[spmem:s25] =	stream.linear.scatter [tilespmem:s29], [sflag:$0x7], $0x2000, $0x38;
	[tilespmem:$0x1C200] =	vst v63  }
0x53: {  	_ =	swait.ge [sflag:s30], $0x2000  }
0x54: {  	[sflag:s30] =	ssyncset.done $0x0  }
0x55: {  	s26 =	rddreg [dreg:$0x8];
	[sflag:s30] =	ssyncadd.s32 $0xFFFFE000  }
0x56: {  	[spmem:s26] =	stream.linear.scatter [tilespmem:s29], [sflag:$0x7], $0x2000, $0x38;
	[tilespmem:$0x1C200] =	vst v63  }
0x57: {  	_ =	swait.ge [sflag:s30], $0x2000  }
0x58: {  	[sflag:s30] =	ssyncset.done $0x0  }
0x59: {  	s21 =	rddreg [dreg:$0x9];
	[sflag:s30] =	ssyncadd.s32 $0xFFFFE000  }
0x5a: {  	[spmem:s21] =	stream.linear.scatter [tilespmem:s29], [sflag:$0x7], $0x2000, $0x38;
	[tilespmem:$0x1C200] =	vst v63  }
0x5b: {  	_ =	swait.ge [sflag:s30], $0x2000  }
0x5c: {  	[sflag:s30] =	ssyncset.done $0x0  }
0x5d: {  	s24 =	rddreg [dreg:$0x12];
	[sflag:s30] =	ssyncadd.s32 $0xFFFFE000  }
0x5e: {  	[spmem:s24] =	stream.linear.scatter [tilespmem:s29], [sflag:$0x7], $0x2000, $0x38;
	[tilespmem:$0x1C200] =	vst v63  }
0x5f: {  	_ =	swait.ge [sflag:s30], $0x2000  }
0x60: {  	[sflag:s30] =	ssyncset.done $0x0  }
0x61: {  	[sflag:s30] =	ssyncadd.s32 $0xFFFFE000  }
0x62: {  	[spmem:s28] =	stream.linear.scatter [tilespmem:s29], [sflag:$0x7], $0x2000, $0x38;
	[tilespmem:$0x1C200] =	vst v63  }
0x63: {  	_ =	swait.ge [sflag:s30], $0x2000  }
0x64: {  	[sflag:s30] =	ssyncset.done $0x0  }
0x65: {  	[sflag:s30] =	ssyncadd.s32 $0xFFFFE000  }
0x66: {  	[bflag:$0x0] =	sbarrier.arrive $0xFFFF  }
0x67: {  	s20 =	simm.s32 $0x0;
	s21 =	rddreg [dreg:$0xa]  }
0x68: {  	[tilespmem:s20], [sflag:$0x1] =	stream.linear.gather [hbm4b:s21+s20], $0x40, $0x38;
	[tilespmem:$0x1C200] =	vst v63  }
0x69: {  	s25 =	rddreg [dreg:$0xb]  }
0x6a: {  	[tilespmem:s31], [sflag:$0x1] =	stream.linear.gather [hbm4b:s25+s20], $0x40, $0x38;
	[tilespmem:$0x1C200] =	vst v63  }
0x6b: {  	s26 =	rddreg [dreg:$0xc]  }
0x6c: {  	[tilespmem:s0], [sflag:$0x1] =	stream.linear.gather [hbm4b:s26+s20], $0x2000, $0x38;
	[tilespmem:$0x1C200] =	vst v63  }
0x6d: {  	s24 =	rddreg [dreg:$0xd]  }
0x6e: {  	[tilespmem:s2], [sflag:$0x2] =	stream.linear.gather [hbm4b:s24+s20], $0x40, $0x38;
	[tilespmem:$0x1C200] =	vst v63  }
0x6f: {  	s25 =	rddreg [dreg:$0xe]  }
0x70: {  	[tilespmem:s9], [sflag:$0x2] =	stream.linear.gather [hbm4b:s25+s20], $0x40, $0x38;
	[tilespmem:$0x1C200] =	vst v63  }
0x71: {  	s26 =	rddreg [dreg:$0xf]  }
0x72: {  	[tilespmem:s10], [sflag:$0x2] =	stream.linear.gather [hbm4b:s26+s20], $0x2000, $0x38;
	[tilespmem:$0x1C200] =	vst v63  }
0x73: {  	_ =	swait.ge [sflag:s11], $0x40  }
0x74: {  	[sflag:s11] =	ssyncset.done $0x0  }
0x75: {  	[sflag:s11] =	ssyncadd.s32 $0xFFFFFFC0  }
0x76: {  	_ =	swait.ge [sflag:s11], $0x40  }
0x77: {  	[sflag:s11] =	ssyncset.done $0x0  }
0x78: {  	[sflag:s11] =	ssyncadd.s32 $0xFFFFFFC0  }
0x79: {  	_ =	swait.ge [sflag:s11], $0x2000  }
0x7a: {  	[sflag:s11] =	ssyncset.done $0x0  }
0x7b: {  	[sflag:s11] =	ssyncadd.s32 $0xFFFFE000  }
0x7c: {  	[tilespmem:s29], [sflag:$0x3] =	stream.indirect.gather [hbm4b:s4+s12], $0x80, s20, s12, $0xb8;
	[tilespmem:$0x1C200] =	vst v63  }
.LBB2_4:
0x7d: {  	_ =	swait.ge [sflag:s13], $0x2000  }
0x7e: {  	[sflag:s13] =	ssyncset.done $0x0  }
0x7f: {  	[sflag:s13] =	ssyncadd.s32 $0xFFFFE000  }
0x80: {  	_ =	swait.ge [sflag:s14], $0x40  }
0x81: {  	[sflag:s14] =	ssyncset.done $0x0  }
0x82: {  	[sflag:s14] =	ssyncadd.s32 $0xFFFFFFC0  }
0x83: {  	_ =	swait.ge [sflag:s14], $0x40  }
0x84: {  	[sflag:s14] =	ssyncset.done $0x0  }
0x85: {  	[sflag:s14] =	ssyncadd.s32 $0xFFFFFFC0  }
0x86: {  	_ =	swait.ge [sflag:s14], $0x2000  }
0x87: {  	[sflag:s14] =	ssyncset.done $0x0  }
0x88: {  	s21 =	simm.s32 $0x4300;
	[sflag:s14] =	ssyncadd.s32 $0xFFFFE000  }
0x89: {  	[tilespmem:s15], [sflag:$0x4] =	stream.indirect.gather [hbm4b:s4+s12], $0x80, s2, s12, $0xb8;
	[tilespmem:$0x1C200] =	vst v63  }
0x8a: {  	s24 =	simm.s32 $0x300;
	v1 =	vld [tilespmem:s21+$0x80]  }
0x8b: {  	v2 =	vld [tilespmem:s24+$0x80]  }
0x8c: {  	v3 =	vld [tilespmem:s21+$0xFFFFFF80]  }
0x8d: {  	v4 =	vld [tilespmem:s24+$0xFFFFFF80]  }
0x8e: {  	v5 =	vld [tilespmem:s21+$0x0]  }
0x8f: {  	v6 =	vld [tilespmem:s24+$0x0]  }
0x90: {  	v7 =	vld [tilespmem:s21+$0xFFFFFF00];
	v1 =	vmul.f32 v2, v1  }
0x91: {  	v2 =	vld [tilespmem:s24+$0xFFFFFF00]  }
0x92: {  	[tilespmem:s21+$0x80] =	vst v1;
	v1 =	vld [tilespmem:s21+$0x90]  }
0x93: {  	v3 =	vmul.f32 v4, v3;
	v4 =	vld [tilespmem:s24+$0x90]  }
0x94: {  	v8 =	vld [tilespmem:s21+$0xFFFFFF10]  }
0x95: {  	[tilespmem:s21+$0xFFFFFF80] =	vst v3;
	v3 =	vmul.f32 v6, v5;
	v5 =	vld [tilespmem:s21+$0xFFFFFF90]  }
0x96: {  	v6 =	vld [tilespmem:s24+$0xFFFFFF90];
	v2 =	vmul.f32 v2, v7  }
0x97: {  	[tilespmem:s21+$0x0] =	vst v3;
	v3 =	vld [tilespmem:s21+$0x10]  }
0x98: {  	v7 =	vld [tilespmem:s24+$0x10];
	[tilespmem:s21+$0xFFFFFF00] =	vst v2;
	v1 =	vmul.f32 v4, v1  }
0x99: {  	v2 =	vld [tilespmem:s24+$0xFFFFFF10]  }
0x9a: {  	[tilespmem:s21+$0x90] =	vst v1;
	v1 =	vld [tilespmem:s21+$0xA0]  }
0x9b: {  	v4 =	vmul.f32 v6, v5;
	v5 =	vld [tilespmem:s24+$0xA0]  }
0x9c: {  	v6 =	vld [tilespmem:s21+$0xFFFFFF20]  }
0x9d: {  	[tilespmem:s21+$0xFFFFFF90] =	vst v4;
	v3 =	vmul.f32 v7, v3;
	v4 =	vld [tilespmem:s21+$0xFFFFFFA0]  }
0x9e: {  	v7 =	vld [tilespmem:s24+$0xFFFFFFA0];
	v2 =	vmul.f32 v2, v8  }
0x9f: {  	[tilespmem:s21+$0x10] =	vst v3;
	v3 =	vld [tilespmem:s21+$0x20]  }
0xa0: {  	v8 =	vld [tilespmem:s24+$0x20];
	[tilespmem:s21+$0xFFFFFF10] =	vst v2;
	v1 =	vmul.f32 v5, v1  }
0xa1: {  	v2 =	vld [tilespmem:s24+$0xFFFFFF20]  }
0xa2: {  	[tilespmem:s21+$0xA0] =	vst v1;
	v1 =	vld [tilespmem:s21+$0xB0]  }
0xa3: {  	v4 =	vmul.f32 v7, v4;
	v5 =	vld [tilespmem:s24+$0xB0]  }
0xa4: {  	v7 =	vld [tilespmem:s21+$0xFFFFFF30]  }
0xa5: {  	[tilespmem:s21+$0xFFFFFFA0] =	vst v4;
	v3 =	vmul.f32 v8, v3;
	v4 =	vld [tilespmem:s21+$0xFFFFFFB0]  }
0xa6: {  	v8 =	vld [tilespmem:s24+$0xFFFFFFB0];
	v2 =	vmul.f32 v2, v6  }
0xa7: {  	[tilespmem:s21+$0x20] =	vst v3;
	v3 =	vld [tilespmem:s21+$0x30]  }
0xa8: {  	v6 =	vld [tilespmem:s24+$0x30];
	[tilespmem:s21+$0xFFFFFF20] =	vst v2;
	v1 =	vmul.f32 v5, v1  }
0xa9: {  	v2 =	vld [tilespmem:s24+$0xFFFFFF30]  }
0xaa: {  	[tilespmem:s21+$0xB0] =	vst v1;
	v1 =	vld [tilespmem:s21+$0xC0]  }
0xab: {  	v4 =	vmul.f32 v8, v4;
	v5 =	vld [tilespmem:s24+$0xC0]  }
0xac: {  	v8 =	vld [tilespmem:s21+$0xFFFFFF40]  }
0xad: {  	[tilespmem:s21+$0xFFFFFFB0] =	vst v4;
	v3 =	vmul.f32 v6, v3;
	v4 =	vld [tilespmem:s21+$0xFFFFFFC0]  }
0xae: {  	v6 =	vld [tilespmem:s24+$0xFFFFFFC0];
	v2 =	vmul.f32 v2, v7  }
0xaf: {  	[tilespmem:s21+$0x30] =	vst v3;
	v3 =	vld [tilespmem:s21+$0x40]  }
0xb0: {  	v7 =	vld [tilespmem:s24+$0x40];
	[tilespmem:s21+$0xFFFFFF30] =	vst v2;
	v1 =	vmul.f32 v5, v1  }
0xb1: {  	v2 =	vld [tilespmem:s24+$0xFFFFFF40]  }
0xb2: {  	[tilespmem:s21+$0xC0] =	vst v1;
	v1 =	vld [tilespmem:s21+$0xD0]  }
0xb3: {  	v4 =	vmul.f32 v6, v4;
	v5 =	vld [tilespmem:s24+$0xD0]  }
0xb4: {  	v6 =	vld [tilespmem:s21+$0xFFFFFF50]  }
0xb5: {  	[tilespmem:s21+$0xFFFFFFC0] =	vst v4;
	v3 =	vmul.f32 v7, v3;
	v4 =	vld [tilespmem:s21+$0xFFFFFFD0]  }
0xb6: {  	v7 =	vld [tilespmem:s24+$0xFFFFFFD0];
	v2 =	vmul.f32 v2, v8  }
0xb7: {  	[tilespmem:s21+$0x40] =	vst v3;
	v3 =	vld [tilespmem:s21+$0x50]  }
0xb8: {  	v8 =	vld [tilespmem:s24+$0x50];
	[tilespmem:s21+$0xFFFFFF40] =	vst v2;
	v1 =	vmul.f32 v5, v1  }
0xb9: {  	v2 =	vld [tilespmem:s24+$0xFFFFFF50]  }
0xba: {  	[tilespmem:s21+$0xD0] =	vst v1;
	v1 =	vld [tilespmem:s21+$0xE0]  }
0xbb: {  	v4 =	vmul.f32 v7, v4;
	v5 =	vld [tilespmem:s24+$0xE0]  }
0xbc: {  	v7 =	vld [tilespmem:s21+$0xFFFFFF60]  }
0xbd: {  	[tilespmem:s21+$0xFFFFFFD0] =	vst v4;
	v3 =	vmul.f32 v8, v3;
	v4 =	vld [tilespmem:s21+$0xFFFFFFE0]  }
0xbe: {  	v8 =	vld [tilespmem:s24+$0xFFFFFFE0];
	v2 =	vmul.f32 v2, v6  }
0xbf: {  	[tilespmem:s21+$0x50] =	vst v3;
	v3 =	vld [tilespmem:s21+$0x60]  }
0xc0: {  	v6 =	vld [tilespmem:s24+$0x60];
	[tilespmem:s21+$0xFFFFFF50] =	vst v2;
	v1 =	vmul.f32 v5, v1  }
0xc1: {  	v5 =	vld [tilespmem:s24+$0xFFFFFF60]  }
0xc2: {  	v9 =	vld [tilespmem:s21+$0xF0];
	[tilespmem:s21+$0xE0] =	vst v1  }
0xc3: {  	v2 =	vmul.f32 v8, v4;
	v8 =	vld [tilespmem:s24+$0xF0]  }
0xc4: {  	v1 =	vld [tilespmem:s21+$0xFFFFFF70]  }
0xc5: {  	[tilespmem:s21+$0xFFFFFFE0] =	vst v2;
	v3 =	vmul.f32 v6, v3;
	v2 =	vld [tilespmem:s21+$0xFFFFFFF0]  }
0xc6: {  	v4 =	vld [tilespmem:s24+$0xFFFFFFF0];
	v5 =	vmul.f32 v5, v7  }
0xc7: {  	[tilespmem:s21+$0x60] =	vst v3;
	v3 =	vld [tilespmem:s21+$0x70]  }
0xc8: {  	[tilespmem:s21+$0xFFFFFF60] =	vst v5;
	v5 =	vld [tilespmem:s24+$0x70];
	v7 =	vmul.f32 v8, v9  }
0xc9: {  	s25 =	simm.s32 $0x0;
	s26 =	simm.s32 $0x4500;
	v6 =	vld [tilespmem:s24+$0xFFFFFF70]  }
.LBB2_5:
0xca: {  	v8 =	vld [tilespmem:s26+$0x80];
	[tilespmem:s21+$0xF0] =	vst v7;
	s24 =	sadd.s32 $0x200, s24  }
0xcb: {  	s25 =	sadd.s32 $0x4, s25;
	v7 =	vld [tilespmem:s24+$0x80];
	v2 =	vmul.f32 v4, v2  }
0xcc: {  	p0 =	slt.u32 s25, $0x3C;
	v4 =	vld [tilespmem:s24+$0xFFFFFF00]  }
0xcd: {  	v9 =	vld [tilespmem:s26+$0xFFFFFF80];
	[tilespmem:s21+$0xFFFFFFF0] =	vst v2;
	v2 =	vmul.f32 v5, v3  }
0xce: {  	v3 =	vld [tilespmem:s24+$0xFFFFFF80];
	v1 =	vmul.f32 v6, v1  }
0xcf: {  	v5 =	vld [tilespmem:s26+$0x0];
	[tilespmem:s21+$0x70] =	vst v2  }
0xd0: {  	v2 =	vld [tilespmem:s24+$0x0];
	v6 =	vmul.f32 v7, v8;
	[tilespmem:s21+$0xFFFFFF70] =	vst v1;
	s21 =	smov.u32 s26  }
0xd1: {  	v1 =	vld [tilespmem:s26+$0xFFFFFF00]  }
0xd2: {  	[tilespmem:s26+$0x80] =	vst v6;
	v6 =	vld [tilespmem:s26+$0x90]  }
0xd3: {  	v3 =	vmul.f32 v3, v9;
	v7 =	vld [tilespmem:s24+$0x90]  }
0xd4: {  	v8 =	vld [tilespmem:s26+$0xFFFFFF10]  }
0xd5: {  	[tilespmem:s26+$0xFFFFFF80] =	vst v3;
	v3 =	vld [tilespmem:s26+$0xFFFFFF90];
	v2 =	vmul.f32 v2, v5  }
0xd6: {  	v1 =	vmul.f32 v4, v1;
	v4 =	vld [tilespmem:s24+$0xFFFFFF90]  }
0xd7: {  	[tilespmem:s26+$0x0] =	vst v2;
	v2 =	vld [tilespmem:s26+$0x10]  }
0xd8: {  	[tilespmem:s26+$0xFFFFFF00] =	vst v1;
	v1 =	vld [tilespmem:s24+$0x10];
	v5 =	vmul.f32 v7, v6  }
0xd9: {  	v6 =	vld [tilespmem:s24+$0xFFFFFF10]  }
0xda: {  	[tilespmem:s26+$0x90] =	vst v5;
	v5 =	vld [tilespmem:s26+$0xA0]  }
0xdb: {  	v3 =	vmul.f32 v4, v3;
	v4 =	vld [tilespmem:s24+$0xA0]  }
0xdc: {  	v7 =	vld [tilespmem:s26+$0xFFFFFF20]  }
0xdd: {  	[tilespmem:s26+$0xFFFFFF90] =	vst v3;
	v3 =	vld [tilespmem:s26+$0xFFFFFFA0];
	v1 =	vmul.f32 v1, v2  }
0xde: {  	v2 =	vmul.f32 v6, v8;
	v6 =	vld [tilespmem:s24+$0xFFFFFFA0]  }
0xdf: {  	[tilespmem:s26+$0x10] =	vst v1;
	v1 =	vld [tilespmem:s26+$0x20]  }
0xe0: {  	[tilespmem:s26+$0xFFFFFF10] =	vst v2;
	v2 =	vld [tilespmem:s24+$0x20];
	v4 =	vmul.f32 v4, v5  }
0xe1: {  	v5 =	vld [tilespmem:s24+$0xFFFFFF20]  }
0xe2: {  	[tilespmem:s26+$0xA0] =	vst v4;
	v4 =	vld [tilespmem:s26+$0xB0]  }
0xe3: {  	v3 =	vmul.f32 v6, v3;
	v6 =	vld [tilespmem:s24+$0xB0]  }
0xe4: {  	v8 =	vld [tilespmem:s26+$0xFFFFFF30]  }
0xe5: {  	[tilespmem:s26+$0xFFFFFFA0] =	vst v3;
	v3 =	vld [tilespmem:s26+$0xFFFFFFB0];
	v1 =	vmul.f32 v2, v1  }
0xe6: {  	v2 =	vmul.f32 v5, v7;
	v5 =	vld [tilespmem:s24+$0xFFFFFFB0]  }
0xe7: {  	[tilespmem:s26+$0x20] =	vst v1;
	v1 =	vld [tilespmem:s26+$0x30]  }
0xe8: {  	[tilespmem:s26+$0xFFFFFF20] =	vst v2;
	v2 =	vld [tilespmem:s24+$0x30];
	v4 =	vmul.f32 v6, v4  }
0xe9: {  	v6 =	vld [tilespmem:s24+$0xFFFFFF30]  }
0xea: {  	[tilespmem:s26+$0xB0] =	vst v4;
	v4 =	vld [tilespmem:s26+$0xC0]  }
0xeb: {  	v3 =	vmul.f32 v5, v3;
	v5 =	vld [tilespmem:s24+$0xC0]  }
0xec: {  	v7 =	vld [tilespmem:s26+$0xFFFFFF40]  }
0xed: {  	[tilespmem:s26+$0xFFFFFFB0] =	vst v3;
	v3 =	vld [tilespmem:s26+$0xFFFFFFC0];
	v1 =	vmul.f32 v2, v1  }
0xee: {  	v2 =	vmul.f32 v6, v8;
	v6 =	vld [tilespmem:s24+$0xFFFFFFC0]  }
0xef: {  	[tilespmem:s26+$0x30] =	vst v1;
	v1 =	vld [tilespmem:s26+$0x40]  }
0xf0: {  	[tilespmem:s26+$0xFFFFFF30] =	vst v2;
	v2 =	vld [tilespmem:s24+$0x40];
	v4 =	vmul.f32 v5, v4  }
0xf1: {  	v5 =	vld [tilespmem:s24+$0xFFFFFF40]  }
0xf2: {  	[tilespmem:s26+$0xC0] =	vst v4;
	v4 =	vld [tilespmem:s26+$0xD0]  }
0xf3: {  	v3 =	vmul.f32 v6, v3;
	v6 =	vld [tilespmem:s24+$0xD0]  }
0xf4: {  	v8 =	vld [tilespmem:s26+$0xFFFFFF50]  }
0xf5: {  	[tilespmem:s26+$0xFFFFFFC0] =	vst v3;
	v3 =	vld [tilespmem:s26+$0xFFFFFFD0];
	v1 =	vmul.f32 v2, v1  }
0xf6: {  	v2 =	vmul.f32 v5, v7;
	v5 =	vld [tilespmem:s24+$0xFFFFFFD0]  }
0xf7: {  	[tilespmem:s26+$0x40] =	vst v1;
	v1 =	vld [tilespmem:s26+$0x50]  }
0xf8: {  	[tilespmem:s26+$0xFFFFFF40] =	vst v2;
	v2 =	vld [tilespmem:s24+$0x50];
	v4 =	vmul.f32 v6, v4  }
0xf9: {  	v6 =	vld [tilespmem:s24+$0xFFFFFF50]  }
0xfa: {  	[tilespmem:s26+$0xD0] =	vst v4;
	v4 =	vld [tilespmem:s26+$0xE0]  }
0xfb: {  	v3 =	vmul.f32 v5, v3;
	v5 =	vld [tilespmem:s24+$0xE0]  }
0xfc: {  	v7 =	vld [tilespmem:s26+$0xFFFFFF60]  }
0xfd: {  	[tilespmem:s26+$0xFFFFFFD0] =	vst v3;
	v3 =	vld [tilespmem:s26+$0xFFFFFFE0];
	v1 =	vmul.f32 v2, v1  }
0xfe: {  	v2 =	vmul.f32 v6, v8;
	v6 =	vld [tilespmem:s24+$0xFFFFFFE0]  }
0xff: {  	[tilespmem:s26+$0x50] =	vst v1;
	v8 =	vld [tilespmem:s26+$0x60]  }
0x100: {  	[tilespmem:s26+$0xFFFFFF50] =	vst v2;
	v9 =	vld [tilespmem:s24+$0x60];
	v1 =	vmul.f32 v5, v4  }
0x101: {  	v4 =	vld [tilespmem:s24+$0xFFFFFF60]  }
0x102: {  	[tilespmem:s26+$0xE0] =	vst v1;
	v10 =	vld [tilespmem:s26+$0xF0]  }
0x103: {  	v2 =	vmul.f32 v6, v3;
	v6 =	vld [tilespmem:s24+$0xF0]  }
0x104: {  	v1 =	vld [tilespmem:s26+$0xFFFFFF70]  }
.Ltmp1:
0x105: {  	[tilespmem:s26+$0xFFFFFFE0] =	vst v2;
	v2 =	vld [tilespmem:s26+$0xFFFFFFF0];
	v3 =	vmul.f32 v9, v8;
	(pc) =	sbr.rel @p0 .LBB2_5-.Ltmp1, $4  }
0x106: {  	v5 =	vmul.f32 v4, v7;
	v4 =	vld [tilespmem:s24+$0xFFFFFFF0]  }
0x107: {  	[tilespmem:s26+$0x60] =	vst v3;
	v3 =	vld [tilespmem:s26+$0x70]  }
0x108: {  	[tilespmem:s26+$0xFFFFFF60] =	vst v5;
	v5 =	vld [tilespmem:s24+$0x70];
	v7 =	vmul.f32 v6, v10  }
0x109: {  	s26 =	sadd.s32 $0x200, s26;
	v6 =	vld [tilespmem:s24+$0xFFFFFF70]  }
0x10a: {  	_ =	sdelay $0x1  }
0x10b: {  	v2 =	vmul.f32 v4, v2  }
0x10c: {  	[tilespmem:s21+$0xF0] =	vst v7;
	v3 =	vmul.f32 v5, v3  }
0x10d: {  	[tilespmem:s21+$0xFFFFFFF0] =	vst v2;
	v1 =	vmul.f32 v6, v1  }
0x10e: {  	[tilespmem:s21+$0x70] =	vst v3  }
0x10f: {  	[tilespmem:s21+$0xFFFFFF70] =	vst v1  }
0x110: {  	[spmem:s1] =	stream.indirect.scatter.add.f32 [tilespmem:s29], [sflag:$0x5], $0x80, s31, s12, $0xb8;
	[tilespmem:$0x1C200] =	vst v63  }
0x111: {  	_ =	swait.ge [sflag:s16], $0x2000  }
0x112: {  	[sflag:s16] =	ssyncset.done $0x0  }
0x113: {  	s21 =	simm.s32 $0x6300;
	[sflag:s16] =	ssyncadd.s32 $0xFFFFE000  }
0x114: {  	s24 =	simm.s32 $0x2300;
	v1 =	vld [tilespmem:s21+$0x80]  }
0x115: {  	v2 =	vld [tilespmem:s24+$0x80]  }
0x116: {  	v3 =	vld [tilespmem:s21+$0xFFFFFF80]  }
0x117: {  	v4 =	vld [tilespmem:s24+$0xFFFFFF80]  }
0x118: {  	v5 =	vld [tilespmem:s21+$0x0]  }
0x119: {  	v6 =	vld [tilespmem:s24+$0x0]  }
0x11a: {  	v7 =	vld [tilespmem:s21+$0xFFFFFF00];
	v1 =	vmul.f32 v2, v1  }
0x11b: {  	v2 =	vld [tilespmem:s24+$0xFFFFFF00]  }
0x11c: {  	[tilespmem:s21+$0x80] =	vst v1;
	v1 =	vld [tilespmem:s21+$0x90]  }
0x11d: {  	v3 =	vmul.f32 v4, v3;
	v4 =	vld [tilespmem:s24+$0x90]  }
0x11e: {  	v8 =	vld [tilespmem:s21+$0xFFFFFF10]  }
0x11f: {  	[tilespmem:s21+$0xFFFFFF80] =	vst v3;
	v3 =	vmul.f32 v6, v5;
	v5 =	vld [tilespmem:s21+$0xFFFFFF90]  }
0x120: {  	v6 =	vld [tilespmem:s24+$0xFFFFFF90];
	v2 =	vmul.f32 v2, v7  }
0x121: {  	[tilespmem:s21+$0x0] =	vst v3;
	v3 =	vld [tilespmem:s21+$0x10]  }
0x122: {  	v7 =	vld [tilespmem:s24+$0x10];
	[tilespmem:s21+$0xFFFFFF00] =	vst v2;
	v1 =	vmul.f32 v4, v1  }
0x123: {  	v2 =	vld [tilespmem:s24+$0xFFFFFF10]  }
0x124: {  	[tilespmem:s21+$0x90] =	vst v1;
	v1 =	vld [tilespmem:s21+$0xA0]  }
0x125: {  	v4 =	vmul.f32 v6, v5;
	v5 =	vld [tilespmem:s24+$0xA0]  }
0x126: {  	v6 =	vld [tilespmem:s21+$0xFFFFFF20]  }
0x127: {  	[tilespmem:s21+$0xFFFFFF90] =	vst v4;
	v3 =	vmul.f32 v7, v3;
	v4 =	vld [tilespmem:s21+$0xFFFFFFA0]  }
0x128: {  	v7 =	vld [tilespmem:s24+$0xFFFFFFA0];
	v2 =	vmul.f32 v2, v8  }
0x129: {  	[tilespmem:s21+$0x10] =	vst v3;
	v3 =	vld [tilespmem:s21+$0x20]  }
0x12a: {  	v8 =	vld [tilespmem:s24+$0x20];
	[tilespmem:s21+$0xFFFFFF10] =	vst v2;
	v1 =	vmul.f32 v5, v1  }
0x12b: {  	v2 =	vld [tilespmem:s24+$0xFFFFFF20]  }
0x12c: {  	[tilespmem:s21+$0xA0] =	vst v1;
	v1 =	vld [tilespmem:s21+$0xB0]  }
0x12d: {  	v4 =	vmul.f32 v7, v4;
	v5 =	vld [tilespmem:s24+$0xB0]  }
0x12e: {  	v7 =	vld [tilespmem:s21+$0xFFFFFF30]  }
0x12f: {  	[tilespmem:s21+$0xFFFFFFA0] =	vst v4;
	v3 =	vmul.f32 v8, v3;
	v4 =	vld [tilespmem:s21+$0xFFFFFFB0]  }
0x130: {  	v8 =	vld [tilespmem:s24+$0xFFFFFFB0];
	v2 =	vmul.f32 v2, v6  }
0x131: {  	[tilespmem:s21+$0x20] =	vst v3;
	v3 =	vld [tilespmem:s21+$0x30]  }
0x132: {  	v6 =	vld [tilespmem:s24+$0x30];
	[tilespmem:s21+$0xFFFFFF20] =	vst v2;
	v1 =	vmul.f32 v5, v1  }
0x133: {  	v2 =	vld [tilespmem:s24+$0xFFFFFF30]  }
0x134: {  	[tilespmem:s21+$0xB0] =	vst v1;
	v1 =	vld [tilespmem:s21+$0xC0]  }
0x135: {  	v4 =	vmul.f32 v8, v4;
	v5 =	vld [tilespmem:s24+$0xC0]  }
0x136: {  	v8 =	vld [tilespmem:s21+$0xFFFFFF40]  }
0x137: {  	[tilespmem:s21+$0xFFFFFFB0] =	vst v4;
	v3 =	vmul.f32 v6, v3;
	v4 =	vld [tilespmem:s21+$0xFFFFFFC0]  }
0x138: {  	v6 =	vld [tilespmem:s24+$0xFFFFFFC0];
	v2 =	vmul.f32 v2, v7  }
0x139: {  	[tilespmem:s21+$0x30] =	vst v3;
	v3 =	vld [tilespmem:s21+$0x40]  }
0x13a: {  	v7 =	vld [tilespmem:s24+$0x40];
	[tilespmem:s21+$0xFFFFFF30] =	vst v2;
	v1 =	vmul.f32 v5, v1  }
0x13b: {  	v2 =	vld [tilespmem:s24+$0xFFFFFF40]  }
0x13c: {  	[tilespmem:s21+$0xC0] =	vst v1;
	v1 =	vld [tilespmem:s21+$0xD0]  }
0x13d: {  	v4 =	vmul.f32 v6, v4;
	v5 =	vld [tilespmem:s24+$0xD0]  }
0x13e: {  	v6 =	vld [tilespmem:s21+$0xFFFFFF50]  }
0x13f: {  	[tilespmem:s21+$0xFFFFFFC0] =	vst v4;
	v3 =	vmul.f32 v7, v3;
	v4 =	vld [tilespmem:s21+$0xFFFFFFD0]  }
0x140: {  	v7 =	vld [tilespmem:s24+$0xFFFFFFD0];
	v2 =	vmul.f32 v2, v8  }
0x141: {  	[tilespmem:s21+$0x40] =	vst v3;
	v3 =	vld [tilespmem:s21+$0x50]  }
0x142: {  	v8 =	vld [tilespmem:s24+$0x50];
	[tilespmem:s21+$0xFFFFFF40] =	vst v2;
	v1 =	vmul.f32 v5, v1  }
0x143: {  	v2 =	vld [tilespmem:s24+$0xFFFFFF50]  }
0x144: {  	[tilespmem:s21+$0xD0] =	vst v1;
	v1 =	vld [tilespmem:s21+$0xE0]  }
0x145: {  	v4 =	vmul.f32 v7, v4;
	v5 =	vld [tilespmem:s24+$0xE0]  }
0x146: {  	v7 =	vld [tilespmem:s21+$0xFFFFFF60]  }
0x147: {  	[tilespmem:s21+$0xFFFFFFD0] =	vst v4;
	v3 =	vmul.f32 v8, v3;
	v4 =	vld [tilespmem:s21+$0xFFFFFFE0]  }
0x148: {  	v8 =	vld [tilespmem:s24+$0xFFFFFFE0];
	v2 =	vmul.f32 v2, v6  }
0x149: {  	[tilespmem:s21+$0x50] =	vst v3;
	v3 =	vld [tilespmem:s21+$0x60]  }
0x14a: {  	v6 =	vld [tilespmem:s24+$0x60];
	[tilespmem:s21+$0xFFFFFF50] =	vst v2;
	v1 =	vmul.f32 v5, v1  }
0x14b: {  	v5 =	vld [tilespmem:s24+$0xFFFFFF60]  }
0x14c: {  	v9 =	vld [tilespmem:s21+$0xF0];
	[tilespmem:s21+$0xE0] =	vst v1  }
0x14d: {  	v2 =	vmul.f32 v8, v4;
	v8 =	vld [tilespmem:s24+$0xF0]  }
0x14e: {  	v1 =	vld [tilespmem:s21+$0xFFFFFF70]  }
0x14f: {  	[tilespmem:s21+$0xFFFFFFE0] =	vst v2;
	v3 =	vmul.f32 v6, v3;
	v2 =	vld [tilespmem:s21+$0xFFFFFFF0]  }
0x150: {  	v4 =	vld [tilespmem:s24+$0xFFFFFFF0];
	v5 =	vmul.f32 v5, v7  }
0x151: {  	[tilespmem:s21+$0x60] =	vst v3;
	v3 =	vld [tilespmem:s21+$0x70]  }
0x152: {  	[tilespmem:s21+$0xFFFFFF60] =	vst v5;
	v5 =	vld [tilespmem:s24+$0x70];
	v7 =	vmul.f32 v8, v9  }
0x153: {  	s25 =	simm.s32 $0x0;
	s26 =	simm.s32 $0x6500;
	v6 =	vld [tilespmem:s24+$0xFFFFFF70]  }
.LBB2_7:
0x154: {  	v8 =	vld [tilespmem:s26+$0x80];
	[tilespmem:s21+$0xF0] =	vst v7;
	s24 =	sadd.s32 $0x200, s24  }
0x155: {  	s25 =	sadd.s32 $0x4, s25;
	v7 =	vld [tilespmem:s24+$0x80];
	v2 =	vmul.f32 v4, v2  }
0x156: {  	p0 =	slt.u32 s25, $0x3C;
	v4 =	vld [tilespmem:s24+$0xFFFFFF00]  }
0x157: {  	v9 =	vld [tilespmem:s26+$0xFFFFFF80];
	[tilespmem:s21+$0xFFFFFFF0] =	vst v2;
	v2 =	vmul.f32 v5, v3  }
0x158: {  	v3 =	vld [tilespmem:s24+$0xFFFFFF80];
	v1 =	vmul.f32 v6, v1  }
0x159: {  	v5 =	vld [tilespmem:s26+$0x0];
	[tilespmem:s21+$0x70] =	vst v2  }
0x15a: {  	v2 =	vld [tilespmem:s24+$0x0];
	v6 =	vmul.f32 v7, v8;
	[tilespmem:s21+$0xFFFFFF70] =	vst v1;
	s21 =	smov.u32 s26  }
0x15b: {  	v1 =	vld [tilespmem:s26+$0xFFFFFF00]  }
0x15c: {  	[tilespmem:s26+$0x80] =	vst v6;
	v6 =	vld [tilespmem:s26+$0x90]  }
0x15d: {  	v3 =	vmul.f32 v3, v9;
	v7 =	vld [tilespmem:s24+$0x90]  }
0x15e: {  	v8 =	vld [tilespmem:s26+$0xFFFFFF10]  }
0x15f: {  	[tilespmem:s26+$0xFFFFFF80] =	vst v3;
	v3 =	vld [tilespmem:s26+$0xFFFFFF90];
	v2 =	vmul.f32 v2, v5  }
0x160: {  	v1 =	vmul.f32 v4, v1;
	v4 =	vld [tilespmem:s24+$0xFFFFFF90]  }
0x161: {  	[tilespmem:s26+$0x0] =	vst v2;
	v2 =	vld [tilespmem:s26+$0x10]  }
0x162: {  	[tilespmem:s26+$0xFFFFFF00] =	vst v1;
	v1 =	vld [tilespmem:s24+$0x10];
	v5 =	vmul.f32 v7, v6  }
0x163: {  	v6 =	vld [tilespmem:s24+$0xFFFFFF10]  }
0x164: {  	[tilespmem:s26+$0x90] =	vst v5;
	v5 =	vld [tilespmem:s26+$0xA0]  }
0x165: {  	v3 =	vmul.f32 v4, v3;
	v4 =	vld [tilespmem:s24+$0xA0]  }
0x166: {  	v7 =	vld [tilespmem:s26+$0xFFFFFF20]  }
0x167: {  	[tilespmem:s26+$0xFFFFFF90] =	vst v3;
	v3 =	vld [tilespmem:s26+$0xFFFFFFA0];
	v1 =	vmul.f32 v1, v2  }
0x168: {  	v2 =	vmul.f32 v6, v8;
	v6 =	vld [tilespmem:s24+$0xFFFFFFA0]  }
0x169: {  	[tilespmem:s26+$0x10] =	vst v1;
	v1 =	vld [tilespmem:s26+$0x20]  }
0x16a: {  	[tilespmem:s26+$0xFFFFFF10] =	vst v2;
	v2 =	vld [tilespmem:s24+$0x20];
	v4 =	vmul.f32 v4, v5  }
0x16b: {  	v5 =	vld [tilespmem:s24+$0xFFFFFF20]  }
0x16c: {  	[tilespmem:s26+$0xA0] =	vst v4;
	v4 =	vld [tilespmem:s26+$0xB0]  }
0x16d: {  	v3 =	vmul.f32 v6, v3;
	v6 =	vld [tilespmem:s24+$0xB0]  }
0x16e: {  	v8 =	vld [tilespmem:s26+$0xFFFFFF30]  }
0x16f: {  	[tilespmem:s26+$0xFFFFFFA0] =	vst v3;
	v3 =	vld [tilespmem:s26+$0xFFFFFFB0];
	v1 =	vmul.f32 v2, v1  }
0x170: {  	v2 =	vmul.f32 v5, v7;
	v5 =	vld [tilespmem:s24+$0xFFFFFFB0]  }
0x171: {  	[tilespmem:s26+$0x20] =	vst v1;
	v1 =	vld [tilespmem:s26+$0x30]  }
0x172: {  	[tilespmem:s26+$0xFFFFFF20] =	vst v2;
	v2 =	vld [tilespmem:s24+$0x30];
	v4 =	vmul.f32 v6, v4  }
0x173: {  	v6 =	vld [tilespmem:s24+$0xFFFFFF30]  }
0x174: {  	[tilespmem:s26+$0xB0] =	vst v4;
	v4 =	vld [tilespmem:s26+$0xC0]  }
0x175: {  	v3 =	vmul.f32 v5, v3;
	v5 =	vld [tilespmem:s24+$0xC0]  }
0x176: {  	v7 =	vld [tilespmem:s26+$0xFFFFFF40]  }
0x177: {  	[tilespmem:s26+$0xFFFFFFB0] =	vst v3;
	v3 =	vld [tilespmem:s26+$0xFFFFFFC0];
	v1 =	vmul.f32 v2, v1  }
0x178: {  	v2 =	vmul.f32 v6, v8;
	v6 =	vld [tilespmem:s24+$0xFFFFFFC0]  }
0x179: {  	[tilespmem:s26+$0x30] =	vst v1;
	v1 =	vld [tilespmem:s26+$0x40]  }
0x17a: {  	[tilespmem:s26+$0xFFFFFF30] =	vst v2;
	v2 =	vld [tilespmem:s24+$0x40];
	v4 =	vmul.f32 v5, v4  }
0x17b: {  	v5 =	vld [tilespmem:s24+$0xFFFFFF40]  }
0x17c: {  	[tilespmem:s26+$0xC0] =	vst v4;
	v4 =	vld [tilespmem:s26+$0xD0]  }
0x17d: {  	v3 =	vmul.f32 v6, v3;
	v6 =	vld [tilespmem:s24+$0xD0]  }
0x17e: {  	v8 =	vld [tilespmem:s26+$0xFFFFFF50]  }
0x17f: {  	[tilespmem:s26+$0xFFFFFFC0] =	vst v3;
	v3 =	vld [tilespmem:s26+$0xFFFFFFD0];
	v1 =	vmul.f32 v2, v1  }
0x180: {  	v2 =	vmul.f32 v5, v7;
	v5 =	vld [tilespmem:s24+$0xFFFFFFD0]  }
0x181: {  	[tilespmem:s26+$0x40] =	vst v1;
	v1 =	vld [tilespmem:s26+$0x50]  }
0x182: {  	[tilespmem:s26+$0xFFFFFF40] =	vst v2;
	v2 =	vld [tilespmem:s24+$0x50];
	v4 =	vmul.f32 v6, v4  }
0x183: {  	v6 =	vld [tilespmem:s24+$0xFFFFFF50]  }
0x184: {  	[tilespmem:s26+$0xD0] =	vst v4;
	v4 =	vld [tilespmem:s26+$0xE0]  }
0x185: {  	v3 =	vmul.f32 v5, v3;
	v5 =	vld [tilespmem:s24+$0xE0]  }
0x186: {  	v7 =	vld [tilespmem:s26+$0xFFFFFF60]  }
0x187: {  	[tilespmem:s26+$0xFFFFFFD0] =	vst v3;
	v3 =	vld [tilespmem:s26+$0xFFFFFFE0];
	v1 =	vmul.f32 v2, v1  }
0x188: {  	v2 =	vmul.f32 v6, v8;
	v6 =	vld [tilespmem:s24+$0xFFFFFFE0]  }
0x189: {  	[tilespmem:s26+$0x50] =	vst v1;
	v8 =	vld [tilespmem:s26+$0x60]  }
0x18a: {  	[tilespmem:s26+$0xFFFFFF50] =	vst v2;
	v9 =	vld [tilespmem:s24+$0x60];
	v1 =	vmul.f32 v5, v4  }
0x18b: {  	v4 =	vld [tilespmem:s24+$0xFFFFFF60]  }
0x18c: {  	[tilespmem:s26+$0xE0] =	vst v1;
	v10 =	vld [tilespmem:s26+$0xF0]  }
0x18d: {  	v2 =	vmul.f32 v6, v3;
	v6 =	vld [tilespmem:s24+$0xF0]  }
0x18e: {  	v1 =	vld [tilespmem:s26+$0xFFFFFF70]  }
.Ltmp2:
0x18f: {  	[tilespmem:s26+$0xFFFFFFE0] =	vst v2;
	v2 =	vld [tilespmem:s26+$0xFFFFFFF0];
	v3 =	vmul.f32 v9, v8;
	(pc) =	sbr.rel @p0 .LBB2_7-.Ltmp2, $4  }
0x190: {  	v5 =	vmul.f32 v4, v7;
	v4 =	vld [tilespmem:s24+$0xFFFFFFF0]  }
0x191: {  	[tilespmem:s26+$0x60] =	vst v3;
	v3 =	vld [tilespmem:s26+$0x70]  }
0x192: {  	[tilespmem:s26+$0xFFFFFF60] =	vst v5;
	v5 =	vld [tilespmem:s24+$0x70];
	v7 =	vmul.f32 v6, v10  }
0x193: {  	s26 =	sadd.s32 $0x200, s26;
	v6 =	vld [tilespmem:s24+$0xFFFFFF70]  }
0x194: {  	_ =	sdelay $0x1  }
0x195: {  	v2 =	vmul.f32 v4, v2  }
0x196: {  	[tilespmem:s21+$0xF0] =	vst v7;
	v3 =	vmul.f32 v5, v3  }
0x197: {  	[tilespmem:s21+$0xFFFFFFF0] =	vst v2;
	v1 =	vmul.f32 v6, v1  }
0x198: {  	[tilespmem:s21+$0x70] =	vst v3  }
0x199: {  	[tilespmem:s21+$0xFFFFFF70] =	vst v1;
	s21 =	sshll.u32 s20, $0x7  }
0x19a: {  	_ =	swait.ge [sflag:s17], $0x2000;
	s24 =	sadd.s32 s21, s22  }
0x19b: {  	[sflag:s17] =	ssyncset.done $0x0;
	s25 =	sshrl.u32 s24, $0x3  }
0x19c: {  	[sflag:s17] =	ssyncadd.s32 $0xFFFFE000;
	s26 =	sadd.s32 s7, s25  }
0x19d: {  	[tilespmem:s3], [sflag:$0x1] =	stream.linear.gather [hbm4b:s26+s3], $0x40, $0x38;
	[tilespmem:$0x1C200] =	vst v63  }
0x19e: {  	s24 =	sshll.u32 s24, $0x4;
	s25 =	sadd.s32 s6, s25  }
0x19f: {  	[tilespmem:s31], [sflag:$0x1] =	stream.linear.gather [hbm4b:s25+s3], $0x40, $0x38;
	[tilespmem:$0x1C200] =	vst v63  }
0x1a0: {  	s24 =	sadd.s32 s5, s24  }
0x1a1: {  	[tilespmem:s0], [sflag:$0x1] =	stream.linear.gather [hbm4b:s24+s3], $0x2000, $0x38;
	[tilespmem:$0x1C200] =	vst v63  }
0x1a2: {  	_ = 	snop  }
0x1a3: {  	[spmem:s1] =	stream.indirect.scatter.add.f32 [tilespmem:s15], [sflag:$0x6], $0x80, s9, s12, $0xb8;
	[tilespmem:$0x1C200] =	vst v63  }
0x1a4: {  	_ =	swait.ge [sflag:s11], $0x40  }
0x1a5: {  	[sflag:s11] =	ssyncset.done $0x0  }
0x1a6: {  	[sflag:s11] =	ssyncadd.s32 $0xFFFFFFC0  }
0x1a7: {  	_ =	swait.ge [sflag:s11], $0x40  }
0x1a8: {  	[sflag:s11] =	ssyncset.done $0x0  }
0x1a9: {  	[sflag:s11] =	ssyncadd.s32 $0xFFFFFFC0  }
0x1aa: {  	_ =	swait.ge [sflag:s11], $0x2000  }
0x1ab: {  	[sflag:s11] =	ssyncset.done $0x0  }
0x1ac: {  	[sflag:s11] =	ssyncadd.s32 $0xFFFFE000  }
0x1ad: {  	[tilespmem:s29], [sflag:$0x3] =	stream.indirect.gather [hbm4b:s4+s12], $0x80, s3, s12, $0xb8;
	[tilespmem:$0x1C200] =	vst v63  }
0x1ae: {  	s21 =	sadd.s32 s21, s23;
	_ =	swait.ge [sflag:s18], $0x2000  }
0x1af: {  	s20 =	sadd.s32 $0x1, s20;
	s24 =	sshrl.u32 s21, $0x3;
	[sflag:s18] =	ssyncset.done $0x0  }
0x1b0: {  	p0 =	sne.s32 s20, $0x4F;
	s26 =	sadd.s32 s7, s24;
	[sflag:s18] =	ssyncadd.s32 $0xFFFFE000  }
0x1b1: {  	[tilespmem:s2], [sflag:$0x2] =	stream.linear.gather [hbm4b:s26+s3], $0x40, $0x38;
	[tilespmem:$0x1C200] =	vst v63  }
.Ltmp3:
0x1b2: {  	_ = 	snop;
	(pc) =	sbr.rel @p0 .LBB2_4-.Ltmp3, $4  }
0x1b3: {  	s21 =	sshll.u32 s21, $0x4;
	s24 =	sadd.s32 s6, s24  }
0x1b4: {  	[tilespmem:s9], [sflag:$0x2] =	stream.linear.gather [hbm4b:s24+s3], $0x40, $0x38;
	[tilespmem:$0x1C200] =	vst v63  }
0x1b5: {  	s21 =	sadd.s32 s5, s21  }
0x1b6: {  	[tilespmem:s10], [sflag:$0x2] =	stream.linear.gather [hbm4b:s21+s3], $0x2000, $0x38;
	[tilespmem:$0x1C200] =	vst v63  }
0x1b7: {  	_ =	swait.ge [sflag:s13], $0x2000  }
0x1b8: {  	[sflag:s13] =	ssyncset.done $0x0  }
0x1b9: {  	[sflag:s13] =	ssyncadd.s32 $0xFFFFE000  }
0x1ba: {  	_ =	swait.ge [sflag:s14], $0x40  }
0x1bb: {  	[sflag:s14] =	ssyncset.done $0x0  }
0x1bc: {  	[sflag:s14] =	ssyncadd.s32 $0xFFFFFFC0  }
0x1bd: {  	_ =	swait.ge [sflag:s14], $0x40  }
0x1be: {  	[sflag:s14] =	ssyncset.done $0x0  }
0x1bf: {  	[sflag:s14] =	ssyncadd.s32 $0xFFFFFFC0  }
0x1c0: {  	_ =	swait.ge [sflag:s14], $0x2000  }
0x1c1: {  	[sflag:s14] =	ssyncset.done $0x0  }
0x1c2: {  	s20 =	stileid.u32;
	[sflag:s14] =	ssyncadd.s32 $0xFFFFE000  }
0x1c3: {  	s20 =	sshll.u32 s20, $0x6;
	[bflag:$0x0] =	sbarrier.arrive $0xFFFF  }
0x1c4: {  	s21 =	sshrl.u32 s8, $0x3;
	s20 =	sor.u32 $0x1C07, s20;
	s24 =	rddreg [dreg:$0x10]  }
0x1c5: {  	[hbm:s24], [sflag:s20] =	dma.local [spmem:s21], $0x2800  }
0x1c6: {  	_ =	swait.ge [sflag:s30], $0x2800  }
0x1c7: {  	s19 =	sadd.s32 $0x1, s19;
	s26 =	rddreg [dreg:$0x11]  }
0x1c8: {  	p0 =	sne.s32 s19, s26  }
.Ltmp4:
0x1c9: {  	_ = 	snop;
	(pc) =	sbr.rel @p0 .LBB2_1-.Ltmp4, $3  }
0x1ca: {  	_ =	sdelay $0x1  }
0x1cb: {  	[sflag:s30] =	ssyncset.done $0x0  }
0x1cc: {  	[sflag:s30] =	ssyncadd.s32 $0xFFFFD800  }
0x1cd: {  	_ =	sfence.sel $0x180000  }
0x1ce: {  	[bflag:$0x0] =	sbarrier.arrive $0xFFFF  }
0x1cf: {  	_ =	strace $0x90000047  }
0x1d0: {  	s0 =	stileid.u32;
	[bflag:$0x2] =	sbarrier.arrive $0xFFFF  }
0x1d1: {  	p0 =	sne.s32 s0, $0x0;
	s0 =	rddreg [dreg:$0x2]  }
0x1d2: {  	s0 =	sadd.s32 @!p0 $0x100000, s0  }
0x1d3: {  	[sflag:s0] =	ssyncadd.tile.s32 @!p0 $0x1;
	_ =	shalt  }
.Lfunc_end2:
_tile_overlayer_lowered:
.L_overlay_start_2:
0x1d4: {  	(tag) =	ssettag $0x2  }
0x1d5: {  	s0 =	rddreg [dreg:$0x0];
	s2 =	stileid.u32  }
0x1d6: {  	s1 =	rddreg [dreg:$0x1];
	p0 =	sne.s32 s2, $0x0  }
0x1d7: {  	s3 =	rddreg [dreg:$0x2];
	[bflag:$0x3] =	sbarrier.arrive $0xFFFF;
	s2 =	simm.s32 @!p0 $0x1C07  }
0x1d8: {  	[timem:s3], [sflag:s2] =	dma.local @!p0 [hbm:s0], s1  }
0x1d9: {  	s0 =	simm.s32 @!p0 $0x7  }
0x1da: {  	_ =	swait.ge @!p0 [sflag:s0], s1  }
0x1db: {  	s1 =	ssub.s32 @!p0 $0x0, s1;
	[sflag:s0] =	ssyncset.done @!p0 $0x0  }
0x1dc: {  	[sflag:s0] =	ssyncadd.s32 @!p0 s1  }
0x1dd: {  	[bflag:$0x3] =	sbarrier.arrive $0xFFFF  }
0x1de: {  	_ =	shalt  }

</sc_bundles>
